<compile_context>
chip_gen: v7x
topology: tpu7x:2x2x1
jax: 0.10.2.dev20260603
libtpu: 0.0.44.dev20260713+nightly
codegen_flags: <defaults>
</compile_context>

<pallas_src>
import functools

import jax
import jax.numpy as jnp
from jax import lax
from jax.experimental import pallas as pl
from jax.experimental.pallas import tpu as pltpu
from jax.experimental.pallas import tpu_sc as plsc

B = 4096
L = 200
EMB = 64
NCLS = 100
VOCAB = 1000000

NC, NS = 2, 16
NW = NC * NS
RPW = B // NW
C0 = 128
C1 = L - C0
HW = EMB // 2

VBH = 8192
NBLK = -(-VOCAB // (4 * VBH))
LASTB = (VOCAB - 1) // VBH
VPADR = NBLK * 4 * VBH


def _tc_pack(tabT):

    def pack_kernel(a_ref, b_ref, c_ref, d_ref, o_ref):
        for q, r in enumerate((a_ref, b_ref, c_ref, d_ref)):
            t = r[...].astype(jnp.bfloat16).T
            lu = jax.lax.bitcast_convert_type(t[:, 0:HW], jnp.uint16).astype(jnp.uint32)
            hu = jax.lax.bitcast_convert_type(t[:, HW:EMB], jnp.uint16).astype(jnp.uint32)
            o_ref[:, HW * q:HW * (q + 1)] = jax.lax.bitcast_convert_type(
                lu | (hu << 16), jnp.float32)

    def _in_spec(q):
        return pl.BlockSpec((EMB, VBH),
                            lambda i, q=q: (0, jnp.minimum(4 * i + q, LASTB)))

    return pl.pallas_call(
        pack_kernel,
        grid=(NBLK,),
        in_specs=[_in_spec(0), _in_spec(1), _in_spec(2), _in_spec(3)],
        out_specs=pl.BlockSpec((VBH, 4 * HW), lambda i: (i, 0)),
        out_shape=jax.ShapeDtypeStruct((NBLK * VBH, 4 * HW), jnp.float32),
    )(tabT, tabT, tabT, tabT)


def _sc_pool_sum(x, tab):
    mesh = plsc.VectorSubcoreMesh(core_axis_name="c", subcore_axis_name="s")

    @functools.partial(
        pl.kernel,
        out_type=jax.ShapeDtypeStruct((B, EMB), jnp.float32),
        mesh=mesh,
        compiler_params=pltpu.CompilerParams(use_tc_tiling_on_sc=False,
                                             needs_layout_passes=False),
        scratch_types=[
            pltpu.VMEM((RPW, L), jnp.int32),
            pltpu.VMEM((L, HW), jnp.float32),
            pltpu.VMEM((L, HW), jnp.float32),
            pltpu.VMEM((L, HW), jnp.float32),
            pltpu.VMEM((L, HW), jnp.float32),
            pltpu.VMEM((RPW, EMB), jnp.float32),
            pltpu.SemaphoreType.DMA,
            pltpu.SemaphoreType.DMA,
            pltpu.SemaphoreType.DMA,
            pltpu.SemaphoreType.DMA,
        ],
    )
    def pool_kernel(x_hbm, tab_hbm, out_hbm, idx_v, rows0, rows1, rows2, rows3,
                    acc_v, sem0, sem1, sem2, sem3):
        wid = lax.axis_index("s") * NC + lax.axis_index("c")
        base = wid * RPW
        pltpu.sync_copy(x_hbm.at[pl.ds(base, RPW), :], idx_v)

        def issue(r, rows_v, sem):
            pltpu.async_copy(
                tab_hbm.at[idx_v.at[r, pl.ds(0, C0)]], rows_v.at[pl.ds(0, C0), :], sem)
            pltpu.async_copy(
                tab_hbm.at[idx_v.at[r, pl.ds(C0, C1)]], rows_v.at[pl.ds(C0, C1), :], sem)

        def drain(rows_v, sem):
            pltpu.make_async_copy(tab_hbm.at[pl.ds(0, L), :], rows_v, sem).wait()

        mask_hi = jnp.full((16,), 0xFFFF0000, dtype=jnp.uint32)

        def accum(r, rows_v):
            zero = jnp.zeros((16,), jnp.float32)

            def one(j, accs):
                a0, a1, a2, a3 = accs
                u0 = plsc.bitcast(rows_v[j, pl.ds(0, 16)], jnp.uint32)
                u1 = plsc.bitcast(rows_v[j, pl.ds(16, 16)], jnp.uint32)
                a0 = a0 + plsc.bitcast(u0 << 16, jnp.float32)
                a1 = a1 + plsc.bitcast(u1 << 16, jnp.float32)
                a2 = a2 + plsc.bitcast(u0 & mask_hi, jnp.float32)
                a3 = a3 + plsc.bitcast(u1 & mask_hi, jnp.float32)
                return (a0, a1, a2, a3)

            def body(jj, accs):
                ae, ao = accs
                return (one(2 * jj, ae), one(2 * jj + 1, ao))

            ae, ao = lax.fori_loop(0, L // 2, body, ((zero,) * 4,) * 2)
            for q in range(4):
                acc_v[r, pl.ds(16 * q, 16)] = ae[q] + ao[q]

        bufs = (rows0, rows1, rows2, rows3)
        sems = (sem0, sem1, sem2, sem3)
        ND = 4
        for k in range(ND - 1):
            issue(k, bufs[k], sems[k])

        def outer(t, carry):
            r = ND * t
            for k in range(ND):
                rr = r + k
                nk = (k + ND - 1) % ND

                @pl.when(rr + ND - 1 < RPW)
                def _(rr=rr, nk=nk):
                    issue(rr + ND - 1, bufs[nk], sems[nk])

                drain(bufs[k], sems[k])
                accum(rr, bufs[k])
            return carry

        lax.fori_loop(0, RPW // ND, outer, 0)
        pltpu.sync_copy(acc_v, out_hbm.at[pl.ds(base, RPW), :])

    return pool_kernel(x, tab)


def _tc_head(pooled_sum, Wt, b2):

    def head_kernel(p_ref, w_ref, b_ref, o_ref):
        o_ref[...] = (
            jnp.dot(p_ref[...], w_ref[...], preferred_element_type=jnp.float32)
            * (1.0 / L)
            + b_ref[...]
        )

    return pl.pallas_call(
        head_kernel,
        out_shape=jax.ShapeDtypeStruct((B, NCLS), jnp.float32),
    )(pooled_sum, Wt, b2)


def kernel(x, emb_table, W, b):
    x = x.astype(jnp.int32)
    xr = (x & ~(4 * VBH - 1)) + 4 * (x & (VBH - 1)) + ((x // VBH) & 3)
    tab2 = _tc_pack(emb_table.T)
    tab = tab2.reshape(VPADR, HW)
    pooled_sum = _sc_pool_sum(xr, tab)
    return _tc_head(pooled_sum, W.T, b.reshape(1, NCLS))

# --- scband reference (transcript-rebuilt; emitter-appended) ---
"""Pipeline reference for scband-baseline-pool-1494648619245 (READ-ONLY COPY).

The authoritative reference and input builder live on the scoring server;
editing this copy changes nothing except your own understanding.
"""

import jax, jax.numpy as jnp
import numpy as np

VOCAB = 1000000
EMB = 64
NCLS = 100
B = 4096
L = 200

def setup_inputs(seed: int = 0) -> dict:
    key = jax.random.key(seed)
    k1, k2, k3, k4 = jax.random.split(key, 4)
    x = jax.random.randint(k1, (B, L), 0, VOCAB, dtype=jnp.int64 if jax.config.jax_enable_x64 else jnp.int32)
    emb_table = jax.random.normal(k2, (VOCAB, EMB), dtype=jnp.float32) * 0.02
    W = jax.random.normal(k3, (NCLS, EMB), dtype=jnp.float32) * 0.02
    b = jnp.zeros((NCLS,), dtype=jnp.float32)
    return {"x": x, "emb_table": emb_table, "W": W, "b": b}

def reference(x, emb_table, W, b):
    # embedding lookup: gather rows of emb_table
    emb = jnp.take(emb_table, x, axis=0)          # [B, L, EMB]
    pooled = emb.mean(axis=1)                      # [B, EMB] (pool_type='mean')
    logits = pooled @ W.T + b                      # [B, NCLS]
    return logits

if __name__ == "__main__":
    import jax
    _d = setup_inputs()
    print(jax.jit(kernel)(*tuple(_d.values())))

</pallas_src>

<mosaic_0001>
#map = affine_map<(d0, d1) -> (0, 0)>
module attributes {stable_mosaic.version = 14 : i64} {
  func.func @pool_kernel(%arg0: i32, %arg1: i32, %arg2: memref<4096x200xi32, #tpu.memory_space<hbm>>, %arg3: memref<1015808x32xf32, #tpu.memory_space<hbm>>, %arg4: memref<4096x64xf32, #tpu.memory_space<hbm>>, %arg5: memref<128x200xi32, #tpu.memory_space<vmem>>, %arg6: memref<200x32xf32, #tpu.memory_space<vmem>>, %arg7: memref<200x32xf32, #tpu.memory_space<vmem>>, %arg8: memref<200x32xf32, #tpu.memory_space<vmem>>, %arg9: memref<200x32xf32, #tpu.memory_space<vmem>>, %arg10: memref<128x64xf32, #tpu.memory_space<vmem>>, %arg11: memref<!tpu.dma_semaphore, #tpu.memory_space<semaphore_mem>>, %arg12: memref<!tpu.dma_semaphore, #tpu.memory_space<semaphore_mem>>, %arg13: memref<!tpu.dma_semaphore, #tpu.memory_space<semaphore_mem>>, %arg14: memref<!tpu.dma_semaphore, #tpu.memory_space<semaphore_mem>>) attributes {dimension_semantics = [#tpu.dimension_semantics<core_parallel>, #tpu.dimension_semantics<subcore_parallel>], iteration_bounds = array<i64: 2, 16>, scalar_prefetch = 0 : i64, scratch_operands = 10 : i64, tpu.core_type = #tpu.core_type<sc_vector_subcore>, window_params = [{transform_indices = #map}, {transform_indices = #map}, {transform_indices = #map}]} {
    %mul3A = arith.constant 2 : i32
    %mul3A_0 = arith.muli %arg1, %mul3A : i32
    %add3A = arith.addi %mul3A_0, %arg0 : i32
    %mul3A_1 = arith.constant 128 : i32
    %mul3A_2 = arith.muli %add3A, %mul3A_1 : i32
    "tpu.region"() ({
      %run_scoped3A = tpu.sem_alloc : memref<!tpu.dma_semaphore, #tpu.memory_space<semaphore_mem>>
      %dma_start3A_68 = arith.constant 0 : i32
      %dma_start3A_69 = tpu.memref_slice %arg2[%mul3A_2, %dma_start3A_68] : memref<4096x200xi32, #tpu.memory_space<hbm>> -> memref<128x200xi32, #tpu.memory_space<hbm>>
      %dma_start3A_70 = arith.constant 0 : i32
      %dma_start3A_71 = tpu.memref_slice %arg2[%mul3A_2, %dma_start3A_70] : memref<4096x200xi32, #tpu.memory_space<hbm>> -> memref<128x200xi32, #tpu.memory_space<hbm>>
      tpu.enqueue_dma source(%dma_start3A_71 : memref<128x200xi32, #tpu.memory_space<hbm>>) target(%arg5 : memref<128x200xi32, #tpu.memory_space<vmem>>) target_semaphore(%run_scoped3A : memref<!tpu.dma_semaphore, #tpu.memory_space<semaphore_mem>>)
      %dma_wait3A = arith.constant 0 : i32
      %dma_wait3A_72 = tpu.memref_slice %arg2[%mul3A_2, %dma_wait3A] : memref<4096x200xi32, #tpu.memory_space<hbm>> -> memref<128x200xi32, #tpu.memory_space<hbm>>
      %dma_wait3A_73 = arith.constant 0 : i32
      %dma_wait3A_74 = tpu.memref_slice %arg2[%mul3A_2, %dma_wait3A_73] : memref<4096x200xi32, #tpu.memory_space<hbm>> -> memref<128x200xi32, #tpu.memory_space<hbm>>
      tpu.wait_dma2 semaphore(%run_scoped3A : memref<!tpu.dma_semaphore, #tpu.memory_space<semaphore_mem>>) src(%dma_wait3A_74 : memref<128x200xi32, #tpu.memory_space<hbm>>) dst(%arg5 : memref<128x200xi32, #tpu.memory_space<vmem>>)
      tpu.yield
    }) : () -> ()
    %broadcast_in_dim3A = arith.constant -65536 : i32
    %broadcast_in_dim3A_3 = vector.broadcast %broadcast_in_dim3A : i32 to vector<16xi32>
    %dma_start3A = arith.constant 0 : i32
    %dma_start3A_4 = arith.constant 0 : i32
    %dma_start3A_5 = arith.constant 0 : i32
    %dma_start3A_6 = tpu.memref_slice %arg6[%dma_start3A_4, %dma_start3A_5] : memref<200x32xf32, #tpu.memory_space<vmem>> -> memref<128x32xf32, #tpu.memory_space<vmem>>
    %dma_start3A_7 = arith.constant 0 : i32
    %dma_start3A_8 = tpu.memref_slice %arg5[%dma_start3A, %dma_start3A_7] : memref<128x200xi32, #tpu.memory_space<vmem>> -> memref<1x128xi32, #tpu.memory_space<vmem>>
    %dma_start3A_9 = tpu.memref_squeeze %dma_start3A_8 : memref<1x128xi32, #tpu.memory_space<vmem>> -> memref<128xi32, #tpu.memory_space<vmem>>
    %dma_start3A_10 = arith.constant 0 : i32
    %dma_start3A_11 = arith.constant 0 : i32
    %dma_start3A_12 = tpu.memref_slice %arg3[%dma_start3A_10, %dma_start3A_11] : memref<1015808x32xf32, #tpu.memory_space<hbm>> -> memref<1015808x32xf32, #tpu.memory_space<hbm>>
    tpu.enqueue_indirect_dma source(%dma_start3A_12 : memref<1015808x32xf32, #tpu.memory_space<hbm>>) target(%dma_start3A_6 : memref<128x32xf32, #tpu.memory_space<vmem>>) offsets(%dma_start3A_9 : memref<128xi32, #tpu.memory_space<vmem>>) semaphore(%arg11 : memref<!tpu.dma_semaphore, #tpu.memory_space<semaphore_mem>>)
    %dma_start3A_13 = arith.constant 0 : i32
    %dma_start3A_14 = arith.constant 128 : i32
    %dma_start3A_15 = arith.constant 0 : i32
    %dma_start3A_16 = tpu.memref_slice %arg6[%dma_start3A_14, %dma_start3A_15] : memref<200x32xf32, #tpu.memory_space<vmem>> -> memref<72x32xf32, #tpu.memory_space<vmem>>
    %dma_start3A_17 = arith.constant 128 : i32
    %dma_start3A_18 = tpu.memref_slice %arg5[%dma_start3A_13, %dma_start3A_17] : memref<128x200xi32, #tpu.memory_space<vmem>> -> memref<1x72xi32, #tpu.memory_space<vmem>>
    %dma_start3A_19 = tpu.memref_squeeze %dma_start3A_18 : memref<1x72xi32, #tpu.memory_space<vmem>> -> memref<72xi32, #tpu.memory_space<vmem>>
    %dma_start3A_20 = arith.constant 0 : i32
    %dma_start3A_21 = arith.constant 0 : i32
    %dma_start3A_22 = tpu.memref_slice %arg3[%dma_start3A_20, %dma_start3A_21] : memref<1015808x32xf32, #tpu.memory_space<hbm>> -> memref<1015808x32xf32, #tpu.memory_space<hbm>>
    tpu.enqueue_indirect_dma source(%dma_start3A_22 : memref<1015808x32xf32, #tpu.memory_space<hbm>>) target(%dma_start3A_16 : memref<72x32xf32, #tpu.memory_space<vmem>>) offsets(%dma_start3A_19 : memref<72xi32, #tpu.memory_space<vmem>>) semaphore(%arg11 : memref<!tpu.dma_semaphore, #tpu.memory_space<semaphore_mem>>)
    %dma_start3A_23 = arith.constant 1 : i32
    %dma_start3A_24 = arith.constant 0 : i32
    %dma_start3A_25 = arith.constant 0 : i32
    %dma_start3A_26 = tpu.memref_slice %arg7[%dma_start3A_24, %dma_start3A_25] : memref<200x32xf32, #tpu.memory_space<vmem>> -> memref<128x32xf32, #tpu.memory_space<vmem>>
    %dma_start3A_27 = arith.constant 0 : i32
    %dma_start3A_28 = tpu.memref_slice %arg5[%dma_start3A_23, %dma_start3A_27] : memref<128x200xi32, #tpu.memory_space<vmem>> -> memref<1x128xi32, #tpu.memory_space<vmem>>
    %dma_start3A_29 = tpu.memref_squeeze %dma_start3A_28 : memref<1x128xi32, #tpu.memory_space<vmem>> -> memref<128xi32, #tpu.memory_space<vmem>>
    %dma_start3A_30 = arith.constant 0 : i32
    %dma_start3A_31 = arith.constant 0 : i32
    %dma_start3A_32 = tpu.memref_slice %arg3[%dma_start3A_30, %dma_start3A_31] : memref<1015808x32xf32, #tpu.memory_space<hbm>> -> memref<1015808x32xf32, #tpu.memory_space<hbm>>
    tpu.enqueue_indirect_dma source(%dma_start3A_32 : memref<1015808x32xf32, #tpu.memory_space<hbm>>) target(%dma_start3A_26 : memref<128x32xf32, #tpu.memory_space<vmem>>) offsets(%dma_start3A_29 : memref<128xi32, #tpu.memory_space<vmem>>) semaphore(%arg12 : memref<!tpu.dma_semaphore, #tpu.memory_space<semaphore_mem>>)
    %dma_start3A_33 = arith.constant 1 : i32
    %dma_start3A_34 = arith.constant 128 : i32
    %dma_start3A_35 = arith.constant 0 : i32
    %dma_start3A_36 = tpu.memref_slice %arg7[%dma_start3A_34, %dma_start3A_35] : memref<200x32xf32, #tpu.memory_space<vmem>> -> memref<72x32xf32, #tpu.memory_space<vmem>>
    %dma_start3A_37 = arith.constant 128 : i32
    %dma_start3A_38 = tpu.memref_slice %arg5[%dma_start3A_33, %dma_start3A_37] : memref<128x200xi32, #tpu.memory_space<vmem>> -> memref<1x72xi32, #tpu.memory_space<vmem>>
    %dma_start3A_39 = tpu.memref_squeeze %dma_start3A_38 : memref<1x72xi32, #tpu.memory_space<vmem>> -> memref<72xi32, #tpu.memory_space<vmem>>
    %dma_start3A_40 = arith.constant 0 : i32
    %dma_start3A_41 = arith.constant 0 : i32
    %dma_start3A_42 = tpu.memref_slice %arg3[%dma_start3A_40, %dma_start3A_41] : memref<1015808x32xf32, #tpu.memory_space<hbm>> -> memref<1015808x32xf32, #tpu.memory_space<hbm>>
    tpu.enqueue_indirect_dma source(%dma_start3A_42 : memref<1015808x32xf32, #tpu.memory_space<hbm>>) target(%dma_start3A_36 : memref<72x32xf32, #tpu.memory_space<vmem>>) offsets(%dma_start3A_39 : memref<72xi32, #tpu.memory_space<vmem>>) semaphore(%arg12 : memref<!tpu.dma_semaphore, #tpu.memory_space<semaphore_mem>>)
    %dma_start3A_43 = arith.constant 2 : i32
    %dma_start3A_44 = arith.constant 0 : i32
    %dma_start3A_45 = arith.constant 0 : i32
    %dma_start3A_46 = tpu.memref_slice %arg8[%dma_start3A_44, %dma_start3A_45] : memref<200x32xf32, #tpu.memory_space<vmem>> -> memref<128x32xf32, #tpu.memory_space<vmem>>
    %dma_start3A_47 = arith.constant 0 : i32
    %dma_start3A_48 = tpu.memref_slice %arg5[%dma_start3A_43, %dma_start3A_47] : memref<128x200xi32, #tpu.memory_space<vmem>> -> memref<1x128xi32, #tpu.memory_space<vmem>>
    %dma_start3A_49 = tpu.memref_squeeze %dma_start3A_48 : memref<1x128xi32, #tpu.memory_space<vmem>> -> memref<128xi32, #tpu.memory_space<vmem>>
    %dma_start3A_50 = arith.constant 0 : i32
    %dma_start3A_51 = arith.constant 0 : i32
    %dma_start3A_52 = tpu.memref_slice %arg3[%dma_start3A_50, %dma_start3A_51] : memref<1015808x32xf32, #tpu.memory_space<hbm>> -> memref<1015808x32xf32, #tpu.memory_space<hbm>>
    tpu.enqueue_indirect_dma source(%dma_start3A_52 : memref<1015808x32xf32, #tpu.memory_space<hbm>>) target(%dma_start3A_46 : memref<128x32xf32, #tpu.memory_space<vmem>>) offsets(%dma_start3A_49 : memref<128xi32, #tpu.memory_space<vmem>>) semaphore(%arg13 : memref<!tpu.dma_semaphore, #tpu.memory_space<semaphore_mem>>)
    %dma_start3A_53 = arith.constant 2 : i32
    %dma_start3A_54 = arith.constant 128 : i32
    %dma_start3A_55 = arith.constant 0 : i32
    %dma_start3A_56 = tpu.memref_slice %arg8[%dma_start3A_54, %dma_start3A_55] : memref<200x32xf32, #tpu.memory_space<vmem>> -> memref<72x32xf32, #tpu.memory_space<vmem>>
    %dma_start3A_57 = arith.constant 128 : i32
    %dma_start3A_58 = tpu.memref_slice %arg5[%dma_start3A_53, %dma_start3A_57] : memref<128x200xi32, #tpu.memory_space<vmem>> -> memref<1x72xi32, #tpu.memory_space<vmem>>
    %dma_start3A_59 = tpu.memref_squeeze %dma_start3A_58 : memref<1x72xi32, #tpu.memory_space<vmem>> -> memref<72xi32, #tpu.memory_space<vmem>>
    %dma_start3A_60 = arith.constant 0 : i32
    %dma_start3A_61 = arith.constant 0 : i32
    %dma_start3A_62 = tpu.memref_slice %arg3[%dma_start3A_60, %dma_start3A_61] : memref<1015808x32xf32, #tpu.memory_space<hbm>> -> memref<1015808x32xf32, #tpu.memory_space<hbm>>
    tpu.enqueue_indirect_dma source(%dma_start3A_62 : memref<1015808x32xf32, #tpu.memory_space<hbm>>) target(%dma_start3A_56 : memref<72x32xf32, #tpu.memory_space<vmem>>) offsets(%dma_start3A_59 : memref<72xi32, #tpu.memory_space<vmem>>) semaphore(%arg13 : memref<!tpu.dma_semaphore, #tpu.memory_space<semaphore_mem>>)
    %scan3A = arith.constant 0 : i32
    %scan3A_63 = arith.constant 0 : i32
    %scan3A_64 = arith.constant 32 : i32
    %scan3A_65 = arith.addi %scan3A_63, %scan3A_64 : i32
    %scan3A_66 = arith.constant 1 : i32
    scf.for %scan3A_68 = %scan3A_63 to %scan3A_65 step %scan3A_66  : i32 {
      %mul3A_69 = arith.constant 4 : i32
      %mul3A_70 = arith.muli %mul3A_69, %scan3A_68 : i32
      %add3A_71 = arith.constant 0 : i32
      %add3A_72 = arith.addi %mul3A_70, %add3A_71 : i32
      %add3A_73 = arith.constant 4 : i32
      %add3A_74 = arith.addi %add3A_72, %add3A_73 : i32
      %sub3A = arith.constant 1 : i32
      %sub3A_75 = arith.subi %add3A_74, %sub3A : i32
      %lt3A = arith.constant 128 : i32
      %lt3A_76 = arith.cmpi slt, %sub3A_75, %lt3A : i32
      %convert_element_type3A = arith.extui %lt3A_76 : i1 to i32
      %cond3A = arith.constant 0 : i32
      %cond3A_77 = arith.cmpi ne, %convert_element_type3A, %cond3A : i32
      scf.if %cond3A_77 {
        %add3A_229 = arith.constant 4 : i32
        %add3A_230 = arith.addi %add3A_72, %add3A_229 : i32
        %sub3A_231 = arith.constant 1 : i32
        %sub3A_232 = arith.subi %add3A_230, %sub3A_231 : i32
        %dma_start3A_233 = arith.constant 0 : i32
        %dma_start3A_234 = arith.constant 0 : i32
        %dma_start3A_235 = tpu.memref_slice %arg9[%dma_start3A_233, %dma_start3A_234] : memref<200x32xf32, #tpu.memory_space<vmem>> -> memref<128x32xf32, #tpu.memory_space<vmem>>
        %dma_start3A_236 = arith.constant 0 : i32
        %dma_start3A_237 = tpu.memref_slice %arg5[%sub3A_232, %dma_start3A_236] : memref<128x200xi32, #tpu.memory_space<vmem>> -> memref<1x128xi32, #tpu.memory_space<vmem>>
        %dma_start3A_238 = tpu.memref_squeeze %dma_start3A_237 : memref<1x128xi32, #tpu.memory_space<vmem>> -> memref<128xi32, #tpu.memory_space<vmem>>
        %dma_start3A_239 = arith.constant 0 : i32
        %dma_start3A_240 = arith.constant 0 : i32
        %dma_start3A_241 = tpu.memref_slice %arg3[%dma_start3A_239, %dma_start3A_240] : memref<1015808x32xf32, #tpu.memory_space<hbm>> -> memref<1015808x32xf32, #tpu.memory_space<hbm>>
        tpu.enqueue_indirect_dma source(%dma_start3A_241 : memref<1015808x32xf32, #tpu.memory_space<hbm>>) target(%dma_start3A_235 : memref<128x32xf32, #tpu.memory_space<vmem>>) offsets(%dma_start3A_238 : memref<128xi32, #tpu.memory_space<vmem>>) semaphore(%arg14 : memref<!tpu.dma_semaphore, #tpu.memory_space<semaphore_mem>>)
        %dma_start3A_242 = arith.constant 128 : i32
        %dma_start3A_243 = arith.constant 0 : i32
        %dma_start3A_244 = tpu.memref_slice %arg9[%dma_start3A_242, %dma_start3A_243] : memref<200x32xf32, #tpu.memory_space<vmem>> -> memref<72x32xf32, #tpu.memory_space<vmem>>
        %dma_start3A_245 = arith.constant 128 : i32
        %dma_start3A_246 = tpu.memref_slice %arg5[%sub3A_232, %dma_start3A_245] : memref<128x200xi32, #tpu.memory_space<vmem>> -> memref<1x72xi32, #tpu.memory_space<vmem>>
        %dma_start3A_247 = tpu.memref_squeeze %dma_start3A_246 : memref<1x72xi32, #tpu.memory_space<vmem>> -> memref<72xi32, #tpu.memory_space<vmem>>
        %dma_start3A_248 = arith.constant 0 : i32
        %dma_start3A_249 = arith.constant 0 : i32
        %dma_start3A_250 = tpu.memref_slice %arg3[%dma_start3A_248, %dma_start3A_249] : memref<1015808x32xf32, #tpu.memory_space<hbm>> -> memref<1015808x32xf32, #tpu.memory_space<hbm>>
        tpu.enqueue_indirect_dma source(%dma_start3A_250 : memref<1015808x32xf32, #tpu.memory_space<hbm>>) target(%dma_start3A_244 : memref<72x32xf32, #tpu.memory_space<vmem>>) offsets(%dma_start3A_247 : memref<72xi32, #tpu.memory_space<vmem>>) semaphore(%arg14 : memref<!tpu.dma_semaphore, #tpu.memory_space<semaphore_mem>>)
      } else {
      }
      %dma_wait3A = arith.constant 0 : i32
      %dma_wait3A_78 = arith.constant 0 : i32
      %dma_wait3A_79 = tpu.memref_slice %arg3[%dma_wait3A, %dma_wait3A_78] : memref<1015808x32xf32, #tpu.memory_space<hbm>> -> memref<200x32xf32, #tpu.memory_space<hbm>>
      %dma_wait3A_80 = arith.constant 0 : i32
      %dma_wait3A_81 = arith.constant 0 : i32
      %dma_wait3A_82 = tpu.memref_slice %arg3[%dma_wait3A_80, %dma_wait3A_81] : memref<1015808x32xf32, #tpu.memory_space<hbm>> -> memref<200x32xf32, #tpu.memory_space<hbm>>
      tpu.wait_dma2 semaphore(%arg11 : memref<!tpu.dma_semaphore, #tpu.memory_space<semaphore_mem>>) src(%dma_wait3A_82 : memref<200x32xf32, #tpu.memory_space<hbm>>) dst(%arg6 : memref<200x32xf32, #tpu.memory_space<vmem>>)
      %broadcast_in_dim3A_83 = arith.constant 0.000000e+00 : f32
      %broadcast_in_dim3A_84 = vector.broadcast %broadcast_in_dim3A_83 : f32 to vector<16xf32>
      %scan3A_85 = arith.constant 0 : i32
      %scan3A_86 = arith.constant 100 : i32
      %scan3A_87 = arith.addi %scan3A_85, %scan3A_86 : i32
      %scan3A_88 = arith.constant 1 : i32
      %scan3A_89:8 = scf.for %scan3A_229 = %scan3A_85 to %scan3A_87 step %scan3A_88 iter_args(%scan3A_230 = %broadcast_in_dim3A_84, %scan3A_231 = %broadcast_in_dim3A_84, %scan3A_232 = %broadcast_in_dim3A_84, %scan3A_233 = %broadcast_in_dim3A_84, %scan3A_234 = %broadcast_in_dim3A_84, %scan3A_235 = %broadcast_in_dim3A_84, %scan3A_236 = %broadcast_in_dim3A_84, %scan3A_237 = %broadcast_in_dim3A_84) -> (vector<16xf32>, vector<16xf32>, vector<16xf32>, vector<16xf32>, vector<16xf32>, vector<16xf32>, vector<16xf32>, vector<16xf32>)  : i32 {
        %mul3A_238 = arith.constant 2 : i32
        %mul3A_239 = arith.muli %mul3A_238, %scan3A_229 : i32
        %get3A = arith.index_cast %mul3A_239 : i32 to index
        %get3A_240 = arith.constant 0 : index
        %get3A_241 = tpu.vector_load %arg6[%get3A, %get3A_240] {strides = array<i32>} : memref<200x32xf32, #tpu.memory_space<vmem>>, vector<16xf32>,
        %bitcast3A = vector.bitcast %get3A_241 : vector<16xf32> to vector<16xi32>
        %get3A_242 = arith.index_cast %mul3A_239 : i32 to index
        %get3A_243 = arith.constant 16 : index
        %get3A_244 = tpu.vector_load %arg6[%get3A_242, %get3A_243] {strides = array<i32>} : memref<200x32xf32, #tpu.memory_space<vmem>>, vector<16xf32>,
        %bitcast3A_245 = vector.bitcast %get3A_244 : vector<16xf32> to vector<16xi32>
        %shift_left3A = arith.constant 16 : i32
        %shift_left3A_246 = vector.broadcast %shift_left3A : i32 to vector<16xi32>
        %shift_left3A_247 = arith.shli %bitcast3A, %shift_left3A_246 : vector<16xi32>
        %bitcast3A_248 = vector.bitcast %shift_left3A_247 : vector<16xi32> to vector<16xf32>
        %add3A_249 = arith.addf %scan3A_230, %bitcast3A_248 : vector<16xf32>
        %shift_left3A_250 = arith.constant 16 : i32
        %shift_left3A_251 = vector.broadcast %shift_left3A_250 : i32 to vector<16xi32>
        %shift_left3A_252 = arith.shli %bitcast3A_245, %shift_left3A_251 : vector<16xi32>
        %bitcast3A_253 = vector.bitcast %shift_left3A_252 : vector<16xi32> to vector<16xf32>
        %add3A_254 = arith.addf %scan3A_231, %bitcast3A_253 : vector<16xf32>
        %and3A = arith.andi %bitcast3A, %broadcast_in_dim3A_3 : vector<16xi32>
        %bitcast3A_255 = vector.bitcast %and3A : vector<16xi32> to vector<16xf32>
        %add3A_256 = arith.addf %scan3A_232, %bitcast3A_255 : vector<16xf32>
        %and3A_257 = arith.andi %bitcast3A_245, %broadcast_in_dim3A_3 : vector<16xi32>
        %bitcast3A_258 = vector.bitcast %and3A_257 : vector<16xi32> to vector<16xf32>
        %add3A_259 = arith.addf %scan3A_233, %bitcast3A_258 : vector<16xf32>
        %mul3A_260 = arith.constant 2 : i32
        %mul3A_261 = arith.muli %mul3A_260, %scan3A_229 : i32
        %add3A_262 = arith.constant 1 : i32
        %add3A_263 = arith.addi %mul3A_261, %add3A_262 : i32
        %get3A_264 = arith.index_cast %add3A_263 : i32 to index
        %get3A_265 = arith.constant 0 : index
        %get3A_266 = tpu.vector_load %arg6[%get3A_264, %get3A_265] {strides = array<i32>} : memref<200x32xf32, #tpu.memory_space<vmem>>, vector<16xf32>,
        %bitcast3A_267 = vector.bitcast %get3A_266 : vector<16xf32> to vector<16xi32>
        %get3A_268 = arith.index_cast %add3A_263 : i32 to index
        %get3A_269 = arith.constant 16 : index
        %get3A_270 = tpu.vector_load %arg6[%get3A_268, %get3A_269] {strides = array<i32>} : memref<200x32xf32, #tpu.memory_space<vmem>>, vector<16xf32>,
        %bitcast3A_271 = vector.bitcast %get3A_270 : vector<16xf32> to vector<16xi32>
        %shift_left3A_272 = arith.constant 16 : i32
        %shift_left3A_273 = vector.broadcast %shift_left3A_272 : i32 to vector<16xi32>
        %shift_left3A_274 = arith.shli %bitcast3A_267, %shift_left3A_273 : vector<16xi32>
        %bitcast3A_275 = vector.bitcast %shift_left3A_274 : vector<16xi32> to vector<16xf32>
        %add3A_276 = arith.addf %scan3A_234, %bitcast3A_275 : vector<16xf32>
        %shift_left3A_277 = arith.constant 16 : i32
        %shift_left3A_278 = vector.broadcast %shift_left3A_277 : i32 to vector<16xi32>
        %shift_left3A_279 = arith.shli %bitcast3A_271, %shift_left3A_278 : vector<16xi32>
        %bitcast3A_280 = vector.bitcast %shift_left3A_279 : vector<16xi32> to vector<16xf32>
        %add3A_281 = arith.addf %scan3A_235, %bitcast3A_280 : vector<16xf32>
        %and3A_282 = arith.andi %bitcast3A_267, %broadcast_in_dim3A_3 : vector<16xi32>
        %bitcast3A_283 = vector.bitcast %and3A_282 : vector<16xi32> to vector<16xf32>
        %add3A_284 = arith.addf %scan3A_236, %bitcast3A_283 : vector<16xf32>
        %and3A_285 = arith.andi %bitcast3A_271, %broadcast_in_dim3A_3 : vector<16xi32>
        %bitcast3A_286 = vector.bitcast %and3A_285 : vector<16xi32> to vector<16xf32>
        %add3A_287 = arith.addf %scan3A_237, %bitcast3A_286 : vector<16xf32>
        scf.yield %add3A_249, %add3A_254, %add3A_256, %add3A_259, %add3A_276, %add3A_281, %add3A_284, %add3A_287 : vector<16xf32>, vector<16xf32>, vector<16xf32>, vector<16xf32>, vector<16xf32>, vector<16xf32>, vector<16xf32>, vector<16xf32>
      }
      %scan3A_90 = arith.constant 100 : i32
      %add3A_91 = arith.addf %scan3A_89#0, %scan3A_89#4 : vector<16xf32>
      %swap3A = arith.index_cast %add3A_72 : i32 to index
      %swap3A_92 = arith.constant 0 : index
      %swap3A_93 = tpu.vector_load %arg10[%swap3A, %swap3A_92] {strides = array<i32>} : memref<128x64xf32, #tpu.memory_space<vmem>>, vector<16xf32>,
      tpu.vector_store %arg10[%swap3A, %swap3A_92], %add3A_91 {strides = array<i32>} : memref<128x64xf32, #tpu.memory_space<vmem>>, vector<16xf32>,
      %add3A_94 = arith.addf %scan3A_89#1, %scan3A_89#5 : vector<16xf32>
      %swap3A_95 = arith.index_cast %add3A_72 : i32 to index
      %swap3A_96 = arith.constant 16 : index
      %swap3A_97 = tpu.vector_load %arg10[%swap3A_95, %swap3A_96] {strides = array<i32>} : memref<128x64xf32, #tpu.memory_space<vmem>>, vector<16xf32>,
      tpu.vector_store %arg10[%swap3A_95, %swap3A_96], %add3A_94 {strides = array<i32>} : memref<128x64xf32, #tpu.memory_space<vmem>>, vector<16xf32>,
      %add3A_98 = arith.addf %scan3A_89#2, %scan3A_89#6 : vector<16xf32>
      %swap3A_99 = arith.index_cast %add3A_72 : i32 to index
      %swap3A_100 = arith.constant 32 : index
      %swap3A_101 = tpu.vector_load %arg10[%swap3A_99, %swap3A_100] {strides = array<i32>} : memref<128x64xf32, #tpu.memory_space<vmem>>, vector<16xf32>,
      tpu.vector_store %arg10[%swap3A_99, %swap3A_100], %add3A_98 {strides = array<i32>} : memref<128x64xf32, #tpu.memory_space<vmem>>, vector<16xf32>,
      %add3A_102 = arith.addf %scan3A_89#3, %scan3A_89#7 : vector<16xf32>
      %swap3A_103 = arith.index_cast %add3A_72 : i32 to index
      %swap3A_104 = arith.constant 48 : index
      %swap3A_105 = tpu.vector_load %arg10[%swap3A_103, %swap3A_104] {strides = array<i32>} : memref<128x64xf32, #tpu.memory_space<vmem>>, vector<16xf32>,
      tpu.vector_store %arg10[%swap3A_103, %swap3A_104], %add3A_102 {strides = array<i32>} : memref<128x64xf32, #tpu.memory_space<vmem>>, vector<16xf32>,
      %add3A_106 = arith.constant 1 : i32
      %add3A_107 = arith.addi %mul3A_70, %add3A_106 : i32
      %add3A_108 = arith.constant 4 : i32
      %add3A_109 = arith.addi %add3A_107, %add3A_108 : i32
      %sub3A_110 = arith.constant 1 : i32
      %sub3A_111 = arith.subi %add3A_109, %sub3A_110 : i32
      %lt3A_112 = arith.constant 128 : i32
      %lt3A_113 = arith.cmpi slt, %sub3A_111, %lt3A_112 : i32
      %convert_element_type3A_114 = arith.extui %lt3A_113 : i1 to i32
      %cond3A_115 = arith.constant 0 : i32
      %cond3A_116 = arith.cmpi ne, %convert_element_type3A_114, %cond3A_115 : i32
      scf.if %cond3A_116 {
        %add3A_229 = arith.constant 4 : i32
        %add3A_230 = arith.addi %add3A_107, %add3A_229 : i32
        %sub3A_231 = arith.constant 1 : i32
        %sub3A_232 = arith.subi %add3A_230, %sub3A_231 : i32
        %dma_start3A_233 = arith.constant 0 : i32
        %dma_start3A_234 = arith.constant 0 : i32
        %dma_start3A_235 = tpu.memref_slice %arg6[%dma_start3A_233, %dma_start3A_234] : memref<200x32xf32, #tpu.memory_space<vmem>> -> memref<128x32xf32, #tpu.memory_space<vmem>>
        %dma_start3A_236 = arith.constant 0 : i32
        %dma_start3A_237 = tpu.memref_slice %arg5[%sub3A_232, %dma_start3A_236] : memref<128x200xi32, #tpu.memory_space<vmem>> -> memref<1x128xi32, #tpu.memory_space<vmem>>
        %dma_start3A_238 = tpu.memref_squeeze %dma_start3A_237 : memref<1x128xi32, #tpu.memory_space<vmem>> -> memref<128xi32, #tpu.memory_space<vmem>>
        %dma_start3A_239 = arith.constant 0 : i32
        %dma_start3A_240 = arith.constant 0 : i32
        %dma_start3A_241 = tpu.memref_slice %arg3[%dma_start3A_239, %dma_start3A_240] : memref<1015808x32xf32, #tpu.memory_space<hbm>> -> memref<1015808x32xf32, #tpu.memory_space<hbm>>
        tpu.enqueue_indirect_dma source(%dma_start3A_241 : memref<1015808x32xf32, #tpu.memory_space<hbm>>) target(%dma_start3A_235 : memref<128x32xf32, #tpu.memory_space<vmem>>) offsets(%dma_start3A_238 : memref<128xi32, #tpu.memory_space<vmem>>) semaphore(%arg11 : memref<!tpu.dma_semaphore, #tpu.memory_space<semaphore_mem>>)
        %dma_start3A_242 = arith.constant 128 : i32
        %dma_start3A_243 = arith.constant 0 : i32
        %dma_start3A_244 = tpu.memref_slice %arg6[%dma_start3A_242, %dma_start3A_243] : memref<200x32xf32, #tpu.memory_space<vmem>> -> memref<72x32xf32, #tpu.memory_space<vmem>>
        %dma_start3A_245 = arith.constant 128 : i32
        %dma_start3A_246 = tpu.memref_slice %arg5[%sub3A_232, %dma_start3A_245] : memref<128x200xi32, #tpu.memory_space<vmem>> -> memref<1x72xi32, #tpu.memory_space<vmem>>
        %dma_start3A_247 = tpu.memref_squeeze %dma_start3A_246 : memref<1x72xi32, #tpu.memory_space<vmem>> -> memref<72xi32, #tpu.memory_space<vmem>>
        %dma_start3A_248 = arith.constant 0 : i32
        %dma_start3A_249 = arith.constant 0 : i32
        %dma_start3A_250 = tpu.memref_slice %arg3[%dma_start3A_248, %dma_start3A_249] : memref<1015808x32xf32, #tpu.memory_space<hbm>> -> memref<1015808x32xf32, #tpu.memory_space<hbm>>
        tpu.enqueue_indirect_dma source(%dma_start3A_250 : memref<1015808x32xf32, #tpu.memory_space<hbm>>) target(%dma_start3A_244 : memref<72x32xf32, #tpu.memory_space<vmem>>) offsets(%dma_start3A_247 : memref<72xi32, #tpu.memory_space<vmem>>) semaphore(%arg11 : memref<!tpu.dma_semaphore, #tpu.memory_space<semaphore_mem>>)
      } else {
      }
      %dma_wait3A_117 = arith.constant 0 : i32
      %dma_wait3A_118 = arith.constant 0 : i32
      %dma_wait3A_119 = tpu.memref_slice %arg3[%dma_wait3A_117, %dma_wait3A_118] : memref<1015808x32xf32, #tpu.memory_space<hbm>> -> memref<200x32xf32, #tpu.memory_space<hbm>>
      %dma_wait3A_120 = arith.constant 0 : i32
      %dma_wait3A_121 = arith.constant 0 : i32
      %dma_wait3A_122 = tpu.memref_slice %arg3[%dma_wait3A_120, %dma_wait3A_121] : memref<1015808x32xf32, #tpu.memory_space<hbm>> -> memref<200x32xf32, #tpu.memory_space<hbm>>
      tpu.wait_dma2 semaphore(%arg12 : memref<!tpu.dma_semaphore, #tpu.memory_space<semaphore_mem>>) src(%dma_wait3A_122 : memref<200x32xf32, #tpu.memory_space<hbm>>) dst(%arg7 : memref<200x32xf32, #tpu.memory_space<vmem>>)
      %broadcast_in_dim3A_123 = arith.constant 0.000000e+00 : f32
      %broadcast_in_dim3A_124 = vector.broadcast %broadcast_in_dim3A_123 : f32 to vector<16xf32>
      %scan3A_125 = arith.constant 0 : i32
      %scan3A_126 = arith.constant 100 : i32
      %scan3A_127 = arith.addi %scan3A_125, %scan3A_126 : i32
      %scan3A_128 = arith.constant 1 : i32
      %scan3A_129:8 = scf.for %scan3A_229 = %scan3A_125 to %scan3A_127 step %scan3A_128 iter_args(%scan3A_230 = %broadcast_in_dim3A_124, %scan3A_231 = %broadcast_in_dim3A_124, %scan3A_232 = %broadcast_in_dim3A_124, %scan3A_233 = %broadcast_in_dim3A_124, %scan3A_234 = %broadcast_in_dim3A_124, %scan3A_235 = %broadcast_in_dim3A_124, %scan3A_236 = %broadcast_in_dim3A_124, %scan3A_237 = %broadcast_in_dim3A_124) -> (vector<16xf32>, vector<16xf32>, vector<16xf32>, vector<16xf32>, vector<16xf32>, vector<16xf32>, vector<16xf32>, vector<16xf32>)  : i32 {
        %mul3A_238 = arith.constant 2 : i32
        %mul3A_239 = arith.muli %mul3A_238, %scan3A_229 : i32
        %get3A = arith.index_cast %mul3A_239 : i32 to index
        %get3A_240 = arith.constant 0 : index
        %get3A_241 = tpu.vector_load %arg7[%get3A, %get3A_240] {strides = array<i32>} : memref<200x32xf32, #tpu.memory_space<vmem>>, vector<16xf32>,
        %bitcast3A = vector.bitcast %get3A_241 : vector<16xf32> to vector<16xi32>
        %get3A_242 = arith.index_cast %mul3A_239 : i32 to index
        %get3A_243 = arith.constant 16 : index
        %get3A_244 = tpu.vector_load %arg7[%get3A_242, %get3A_243] {strides = array<i32>} : memref<200x32xf32, #tpu.memory_space<vmem>>, vector<16xf32>,
        %bitcast3A_245 = vector.bitcast %get3A_244 : vector<16xf32> to vector<16xi32>
        %shift_left3A = arith.constant 16 : i32
        %shift_left3A_246 = vector.broadcast %shift_left3A : i32 to vector<16xi32>
        %shift_left3A_247 = arith.shli %bitcast3A, %shift_left3A_246 : vector<16xi32>
        %bitcast3A_248 = vector.bitcast %shift_left3A_247 : vector<16xi32> to vector<16xf32>
        %add3A_249 = arith.addf %scan3A_230, %bitcast3A_248 : vector<16xf32>
        %shift_left3A_250 = arith.constant 16 : i32
        %shift_left3A_251 = vector.broadcast %shift_left3A_250 : i32 to vector<16xi32>
        %shift_left3A_252 = arith.shli %bitcast3A_245, %shift_left3A_251 : vector<16xi32>
        %bitcast3A_253 = vector.bitcast %shift_left3A_252 : vector<16xi32> to vector<16xf32>
        %add3A_254 = arith.addf %scan3A_231, %bitcast3A_253 : vector<16xf32>
        %and3A = arith.andi %bitcast3A, %broadcast_in_dim3A_3 : vector<16xi32>
        %bitcast3A_255 = vector.bitcast %and3A : vector<16xi32> to vector<16xf32>
        %add3A_256 = arith.addf %scan3A_232, %bitcast3A_255 : vector<16xf32>
        %and3A_257 = arith.andi %bitcast3A_245, %broadcast_in_dim3A_3 : vector<16xi32>
        %bitcast3A_258 = vector.bitcast %and3A_257 : vector<16xi32> to vector<16xf32>
        %add3A_259 = arith.addf %scan3A_233, %bitcast3A_258 : vector<16xf32>
        %mul3A_260 = arith.constant 2 : i32
        %mul3A_261 = arith.muli %mul3A_260, %scan3A_229 : i32
        %add3A_262 = arith.constant 1 : i32
        %add3A_263 = arith.addi %mul3A_261, %add3A_262 : i32
        %get3A_264 = arith.index_cast %add3A_263 : i32 to index
        %get3A_265 = arith.constant 0 : index
        %get3A_266 = tpu.vector_load %arg7[%get3A_264, %get3A_265] {strides = array<i32>} : memref<200x32xf32, #tpu.memory_space<vmem>>, vector<16xf32>,
        %bitcast3A_267 = vector.bitcast %get3A_266 : vector<16xf32> to vector<16xi32>
        %get3A_268 = arith.index_cast %add3A_263 : i32 to index
        %get3A_269 = arith.constant 16 : index
        %get3A_270 = tpu.vector_load %arg7[%get3A_268, %get3A_269] {strides = array<i32>} : memref<200x32xf32, #tpu.memory_space<vmem>>, vector<16xf32>,
        %bitcast3A_271 = vector.bitcast %get3A_270 : vector<16xf32> to vector<16xi32>
        %shift_left3A_272 = arith.constant 16 : i32
        %shift_left3A_273 = vector.broadcast %shift_left3A_272 : i32 to vector<16xi32>
        %shift_left3A_274 = arith.shli %bitcast3A_267, %shift_left3A_273 : vector<16xi32>
        %bitcast3A_275 = vector.bitcast %shift_left3A_274 : vector<16xi32> to vector<16xf32>
        %add3A_276 = arith.addf %scan3A_234, %bitcast3A_275 : vector<16xf32>
        %shift_left3A_277 = arith.constant 16 : i32
        %shift_left3A_278 = vector.broadcast %shift_left3A_277 : i32 to vector<16xi32>
        %shift_left3A_279 = arith.shli %bitcast3A_271, %shift_left3A_278 : vector<16xi32>
        %bitcast3A_280 = vector.bitcast %shift_left3A_279 : vector<16xi32> to vector<16xf32>
        %add3A_281 = arith.addf %scan3A_235, %bitcast3A_280 : vector<16xf32>
        %and3A_282 = arith.andi %bitcast3A_267, %broadcast_in_dim3A_3 : vector<16xi32>
        %bitcast3A_283 = vector.bitcast %and3A_282 : vector<16xi32> to vector<16xf32>
        %add3A_284 = arith.addf %scan3A_236, %bitcast3A_283 : vector<16xf32>
        %and3A_285 = arith.andi %bitcast3A_271, %broadcast_in_dim3A_3 : vector<16xi32>
        %bitcast3A_286 = vector.bitcast %and3A_285 : vector<16xi32> to vector<16xf32>
        %add3A_287 = arith.addf %scan3A_237, %bitcast3A_286 : vector<16xf32>
        scf.yield %add3A_249, %add3A_254, %add3A_256, %add3A_259, %add3A_276, %add3A_281, %add3A_284, %add3A_287 : vector<16xf32>, vector<16xf32>, vector<16xf32>, vector<16xf32>, vector<16xf32>, vector<16xf32>, vector<16xf32>, vector<16xf32>
      }
      %scan3A_130 = arith.constant 100 : i32
      %add3A_131 = arith.addf %scan3A_129#0, %scan3A_129#4 : vector<16xf32>
      %swap3A_132 = arith.index_cast %add3A_107 : i32 to index
      %swap3A_133 = arith.constant 0 : index
      %swap3A_134 = tpu.vector_load %arg10[%swap3A_132, %swap3A_133] {strides = array<i32>} : memref<128x64xf32, #tpu.memory_space<vmem>>, vector<16xf32>,
      tpu.vector_store %arg10[%swap3A_132, %swap3A_133], %add3A_131 {strides = array<i32>} : memref<128x64xf32, #tpu.memory_space<vmem>>, vector<16xf32>,
      %add3A_135 = arith.addf %scan3A_129#1, %scan3A_129#5 : vector<16xf32>
      %swap3A_136 = arith.index_cast %add3A_107 : i32 to index
      %swap3A_137 = arith.constant 16 : index
      %swap3A_138 = tpu.vector_load %arg10[%swap3A_136, %swap3A_137] {strides = array<i32>} : memref<128x64xf32, #tpu.memory_space<vmem>>, vector<16xf32>,
      tpu.vector_store %arg10[%swap3A_136, %swap3A_137], %add3A_135 {strides = array<i32>} : memref<128x64xf32, #tpu.memory_space<vmem>>, vector<16xf32>,
      %add3A_139 = arith.addf %scan3A_129#2, %scan3A_129#6 : vector<16xf32>
      %swap3A_140 = arith.index_cast %add3A_107 : i32 to index
      %swap3A_141 = arith.constant 32 : index
      %swap3A_142 = tpu.vector_load %arg10[%swap3A_140, %swap3A_141] {strides = array<i32>} : memref<128x64xf32, #tpu.memory_space<vmem>>, vector<16xf32>,
      tpu.vector_store %arg10[%swap3A_140, %swap3A_141], %add3A_139 {strides = array<i32>} : memref<128x64xf32, #tpu.memory_space<vmem>>, vector<16xf32>,
      %add3A_143 = arith.addf %scan3A_129#3, %scan3A_129#7 : vector<16xf32>
      %swap3A_144 = arith.index_cast %add3A_107 : i32 to index
      %swap3A_145 = arith.constant 48 : index
      %swap3A_146 = tpu.vector_load %arg10[%swap3A_144, %swap3A_145] {strides = array<i32>} : memref<128x64xf32, #tpu.memory_space<vmem>>, vector<16xf32>,
      tpu.vector_store %arg10[%swap3A_144, %swap3A_145], %add3A_143 {strides = array<i32>} : memref<128x64xf32, #tpu.memory_space<vmem>>, vector<16xf32>,
      %add3A_147 = arith.constant 2 : i32
      %add3A_148 = arith.addi %mul3A_70, %add3A_147 : i32
      %add3A_149 = arith.constant 4 : i32
      %add3A_150 = arith.addi %add3A_148, %add3A_149 : i32
      %sub3A_151 = arith.constant 1 : i32
      %sub3A_152 = arith.subi %add3A_150, %sub3A_151 : i32
      %lt3A_153 = arith.constant 128 : i32
      %lt3A_154 = arith.cmpi slt, %sub3A_152, %lt3A_153 : i32
      %convert_element_type3A_155 = arith.extui %lt3A_154 : i1 to i32
      %cond3A_156 = arith.constant 0 : i32
      %cond3A_157 = arith.cmpi ne, %convert_element_type3A_155, %cond3A_156 : i32
      scf.if %cond3A_157 {
        %add3A_229 = arith.constant 4 : i32
        %add3A_230 = arith.addi %add3A_148, %add3A_229 : i32
        %sub3A_231 = arith.constant 1 : i32
        %sub3A_232 = arith.subi %add3A_230, %sub3A_231 : i32
        %dma_start3A_233 = arith.constant 0 : i32
        %dma_start3A_234 = arith.constant 0 : i32
        %dma_start3A_235 = tpu.memref_slice %arg7[%dma_start3A_233, %dma_start3A_234] : memref<200x32xf32, #tpu.memory_space<vmem>> -> memref<128x32xf32, #tpu.memory_space<vmem>>
        %dma_start3A_236 = arith.constant 0 : i32
        %dma_start3A_237 = tpu.memref_slice %arg5[%sub3A_232, %dma_start3A_236] : memref<128x200xi32, #tpu.memory_space<vmem>> -> memref<1x128xi32, #tpu.memory_space<vmem>>
        %dma_start3A_238 = tpu.memref_squeeze %dma_start3A_237 : memref<1x128xi32, #tpu.memory_space<vmem>> -> memref<128xi32, #tpu.memory_space<vmem>>
        %dma_start3A_239 = arith.constant 0 : i32
        %dma_start3A_240 = arith.constant 0 : i32
        %dma_start3A_241 = tpu.memref_slice %arg3[%dma_start3A_239, %dma_start3A_240] : memref<1015808x32xf32, #tpu.memory_space<hbm>> -> memref<1015808x32xf32, #tpu.memory_space<hbm>>
        tpu.enqueue_indirect_dma source(%dma_start3A_241 : memref<1015808x32xf32, #tpu.memory_space<hbm>>) target(%dma_start3A_235 : memref<128x32xf32, #tpu.memory_space<vmem>>) offsets(%dma_start3A_238 : memref<128xi32, #tpu.memory_space<vmem>>) semaphore(%arg12 : memref<!tpu.dma_semaphore, #tpu.memory_space<semaphore_mem>>)
        %dma_start3A_242 = arith.constant 128 : i32
        %dma_start3A_243 = arith.constant 0 : i32
        %dma_start3A_244 = tpu.memref_slice %arg7[%dma_start3A_242, %dma_start3A_243] : memref<200x32xf32, #tpu.memory_space<vmem>> -> memref<72x32xf32, #tpu.memory_space<vmem>>
        %dma_start3A_245 = arith.constant 128 : i32
        %dma_start3A_246 = tpu.memref_slice %arg5[%sub3A_232, %dma_start3A_245] : memref<128x200xi32, #tpu.memory_space<vmem>> -> memref<1x72xi32, #tpu.memory_space<vmem>>
        %dma_start3A_247 = tpu.memref_squeeze %dma_start3A_246 : memref<1x72xi32, #tpu.memory_space<vmem>> -> memref<72xi32, #tpu.memory_space<vmem>>
        %dma_start3A_248 = arith.constant 0 : i32
        %dma_start3A_249 = arith.constant 0 : i32
        %dma_start3A_250 = tpu.memref_slice %arg3[%dma_start3A_248, %dma_start3A_249] : memref<1015808x32xf32, #tpu.memory_space<hbm>> -> memref<1015808x32xf32, #tpu.memory_space<hbm>>
        tpu.enqueue_indirect_dma source(%dma_start3A_250 : memref<1015808x32xf32, #tpu.memory_space<hbm>>) target(%dma_start3A_244 : memref<72x32xf32, #tpu.memory_space<vmem>>) offsets(%dma_start3A_247 : memref<72xi32, #tpu.memory_space<vmem>>) semaphore(%arg12 : memref<!tpu.dma_semaphore, #tpu.memory_space<semaphore_mem>>)
      } else {
      }
      %dma_wait3A_158 = arith.constant 0 : i32
      %dma_wait3A_159 = arith.constant 0 : i32
      %dma_wait3A_160 = tpu.memref_slice %arg3[%dma_wait3A_158, %dma_wait3A_159] : memref<1015808x32xf32, #tpu.memory_space<hbm>> -> memref<200x32xf32, #tpu.memory_space<hbm>>
      %dma_wait3A_161 = arith.constant 0 : i32
      %dma_wait3A_162 = arith.constant 0 : i32
      %dma_wait3A_163 = tpu.memref_slice %arg3[%dma_wait3A_161, %dma_wait3A_162] : memref<1015808x32xf32, #tpu.memory_space<hbm>> -> memref<200x32xf32, #tpu.memory_space<hbm>>
      tpu.wait_dma2 semaphore(%arg13 : memref<!tpu.dma_semaphore, #tpu.memory_space<semaphore_mem>>) src(%dma_wait3A_163 : memref<200x32xf32, #tpu.memory_space<hbm>>) dst(%arg8 : memref<200x32xf32, #tpu.memory_space<vmem>>)
      %broadcast_in_dim3A_164 = arith.constant 0.000000e+00 : f32
      %broadcast_in_dim3A_165 = vector.broadcast %broadcast_in_dim3A_164 : f32 to vector<16xf32>
      %scan3A_166 = arith.constant 0 : i32
      %scan3A_167 = arith.constant 100 : i32
      %scan3A_168 = arith.addi %scan3A_166, %scan3A_167 : i32
      %scan3A_169 = arith.constant 1 : i32
      %scan3A_170:8 = scf.for %scan3A_229 = %scan3A_166 to %scan3A_168 step %scan3A_169 iter_args(%scan3A_230 = %broadcast_in_dim3A_165, %scan3A_231 = %broadcast_in_dim3A_165, %scan3A_232 = %broadcast_in_dim3A_165, %scan3A_233 = %broadcast_in_dim3A_165, %scan3A_234 = %broadcast_in_dim3A_165, %scan3A_235 = %broadcast_in_dim3A_165, %scan3A_236 = %broadcast_in_dim3A_165, %scan3A_237 = %broadcast_in_dim3A_165) -> (vector<16xf32>, vector<16xf32>, vector<16xf32>, vector<16xf32>, vector<16xf32>, vector<16xf32>, vector<16xf32>, vector<16xf32>)  : i32 {
        %mul3A_238 = arith.constant 2 : i32
        %mul3A_239 = arith.muli %mul3A_238, %scan3A_229 : i32
        %get3A = arith.index_cast %mul3A_239 : i32 to index
        %get3A_240 = arith.constant 0 : index
        %get3A_241 = tpu.vector_load %arg8[%get3A, %get3A_240] {strides = array<i32>} : memref<200x32xf32, #tpu.memory_space<vmem>>, vector<16xf32>,
        %bitcast3A = vector.bitcast %get3A_241 : vector<16xf32> to vector<16xi32>
        %get3A_242 = arith.index_cast %mul3A_239 : i32 to index
        %get3A_243 = arith.constant 16 : index
        %get3A_244 = tpu.vector_load %arg8[%get3A_242, %get3A_243] {strides = array<i32>} : memref<200x32xf32, #tpu.memory_space<vmem>>, vector<16xf32>,
        %bitcast3A_245 = vector.bitcast %get3A_244 : vector<16xf32> to vector<16xi32>
        %shift_left3A = arith.constant 16 : i32
        %shift_left3A_246 = vector.broadcast %shift_left3A : i32 to vector<16xi32>
        %shift_left3A_247 = arith.shli %bitcast3A, %shift_left3A_246 : vector<16xi32>
        %bitcast3A_248 = vector.bitcast %shift_left3A_247 : vector<16xi32> to vector<16xf32>
        %add3A_249 = arith.addf %scan3A_230, %bitcast3A_248 : vector<16xf32>
        %shift_left3A_250 = arith.constant 16 : i32
        %shift_left3A_251 = vector.broadcast %shift_left3A_250 : i32 to vector<16xi32>
        %shift_left3A_252 = arith.shli %bitcast3A_245, %shift_left3A_251 : vector<16xi32>
        %bitcast3A_253 = vector.bitcast %shift_left3A_252 : vector<16xi32> to vector<16xf32>
        %add3A_254 = arith.addf %scan3A_231, %bitcast3A_253 : vector<16xf32>
        %and3A = arith.andi %bitcast3A, %broadcast_in_dim3A_3 : vector<16xi32>
        %bitcast3A_255 = vector.bitcast %and3A : vector<16xi32> to vector<16xf32>
        %add3A_256 = arith.addf %scan3A_232, %bitcast3A_255 : vector<16xf32>
        %and3A_257 = arith.andi %bitcast3A_245, %broadcast_in_dim3A_3 : vector<16xi32>
        %bitcast3A_258 = vector.bitcast %and3A_257 : vector<16xi32> to vector<16xf32>
        %add3A_259 = arith.addf %scan3A_233, %bitcast3A_258 : vector<16xf32>
        %mul3A_260 = arith.constant 2 : i32
        %mul3A_261 = arith.muli %mul3A_260, %scan3A_229 : i32
        %add3A_262 = arith.constant 1 : i32
        %add3A_263 = arith.addi %mul3A_261, %add3A_262 : i32
        %get3A_264 = arith.index_cast %add3A_263 : i32 to index
        %get3A_265 = arith.constant 0 : index
        %get3A_266 = tpu.vector_load %arg8[%get3A_264, %get3A_265] {strides = array<i32>} : memref<200x32xf32, #tpu.memory_space<vmem>>, vector<16xf32>,
        %bitcast3A_267 = vector.bitcast %get3A_266 : vector<16xf32> to vector<16xi32>
        %get3A_268 = arith.index_cast %add3A_263 : i32 to index
        %get3A_269 = arith.constant 16 : index
        %get3A_270 = tpu.vector_load %arg8[%get3A_268, %get3A_269] {strides = array<i32>} : memref<200x32xf32, #tpu.memory_space<vmem>>, vector<16xf32>,
        %bitcast3A_271 = vector.bitcast %get3A_270 : vector<16xf32> to vector<16xi32>
        %shift_left3A_272 = arith.constant 16 : i32
        %shift_left3A_273 = vector.broadcast %shift_left3A_272 : i32 to vector<16xi32>
        %shift_left3A_274 = arith.shli %bitcast3A_267, %shift_left3A_273 : vector<16xi32>
        %bitcast3A_275 = vector.bitcast %shift_left3A_274 : vector<16xi32> to vector<16xf32>
        %add3A_276 = arith.addf %scan3A_234, %bitcast3A_275 : vector<16xf32>
        %shift_left3A_277 = arith.constant 16 : i32
        %shift_left3A_278 = vector.broadcast %shift_left3A_277 : i32 to vector<16xi32>
        %shift_left3A_279 = arith.shli %bitcast3A_271, %shift_left3A_278 : vector<16xi32>
        %bitcast3A_280 = vector.bitcast %shift_left3A_279 : vector<16xi32> to vector<16xf32>
        %add3A_281 = arith.addf %scan3A_235, %bitcast3A_280 : vector<16xf32>
        %and3A_282 = arith.andi %bitcast3A_267, %broadcast_in_dim3A_3 : vector<16xi32>
        %bitcast3A_283 = vector.bitcast %and3A_282 : vector<16xi32> to vector<16xf32>
        %add3A_284 = arith.addf %scan3A_236, %bitcast3A_283 : vector<16xf32>
        %and3A_285 = arith.andi %bitcast3A_271, %broadcast_in_dim3A_3 : vector<16xi32>
        %bitcast3A_286 = vector.bitcast %and3A_285 : vector<16xi32> to vector<16xf32>
        %add3A_287 = arith.addf %scan3A_237, %bitcast3A_286 : vector<16xf32>
        scf.yield %add3A_249, %add3A_254, %add3A_256, %add3A_259, %add3A_276, %add3A_281, %add3A_284, %add3A_287 : vector<16xf32>, vector<16xf32>, vector<16xf32>, vector<16xf32>, vector<16xf32>, vector<16xf32>, vector<16xf32>, vector<16xf32>
      }
      %scan3A_171 = arith.constant 100 : i32
      %add3A_172 = arith.addf %scan3A_170#0, %scan3A_170#4 : vector<16xf32>
      %swap3A_173 = arith.index_cast %add3A_148 : i32 to index
      %swap3A_174 = arith.constant 0 : index
      %swap3A_175 = tpu.vector_load %arg10[%swap3A_173, %swap3A_174] {strides = array<i32>} : memref<128x64xf32, #tpu.memory_space<vmem>>, vector<16xf32>,
      tpu.vector_store %arg10[%swap3A_173, %swap3A_174], %add3A_172 {strides = array<i32>} : memref<128x64xf32, #tpu.memory_space<vmem>>, vector<16xf32>,
      %add3A_176 = arith.addf %scan3A_170#1, %scan3A_170#5 : vector<16xf32>
      %swap3A_177 = arith.index_cast %add3A_148 : i32 to index
      %swap3A_178 = arith.constant 16 : index
      %swap3A_179 = tpu.vector_load %arg10[%swap3A_177, %swap3A_178] {strides = array<i32>} : memref<128x64xf32, #tpu.memory_space<vmem>>, vector<16xf32>,
      tpu.vector_store %arg10[%swap3A_177, %swap3A_178], %add3A_176 {strides = array<i32>} : memref<128x64xf32, #tpu.memory_space<vmem>>, vector<16xf32>,
      %add3A_180 = arith.addf %scan3A_170#2, %scan3A_170#6 : vector<16xf32>
      %swap3A_181 = arith.index_cast %add3A_148 : i32 to index
      %swap3A_182 = arith.constant 32 : index
      %swap3A_183 = tpu.vector_load %arg10[%swap3A_181, %swap3A_182] {strides = array<i32>} : memref<128x64xf32, #tpu.memory_space<vmem>>, vector<16xf32>,
      tpu.vector_store %arg10[%swap3A_181, %swap3A_182], %add3A_180 {strides = array<i32>} : memref<128x64xf32, #tpu.memory_space<vmem>>, vector<16xf32>,
      %add3A_184 = arith.addf %scan3A_170#3, %scan3A_170#7 : vector<16xf32>
      %swap3A_185 = arith.index_cast %add3A_148 : i32 to index
      %swap3A_186 = arith.constant 48 : index
      %swap3A_187 = tpu.vector_load %arg10[%swap3A_185, %swap3A_186] {strides = array<i32>} : memref<128x64xf32, #tpu.memory_space<vmem>>, vector<16xf32>,
      tpu.vector_store %arg10[%swap3A_185, %swap3A_186], %add3A_184 {strides = array<i32>} : memref<128x64xf32, #tpu.memory_space<vmem>>, vector<16xf32>,
      %add3A_188 = arith.constant 3 : i32
      %add3A_189 = arith.addi %mul3A_70, %add3A_188 : i32
      %add3A_190 = arith.constant 4 : i32
      %add3A_191 = arith.addi %add3A_189, %add3A_190 : i32
      %sub3A_192 = arith.constant 1 : i32
      %sub3A_193 = arith.subi %add3A_191, %sub3A_192 : i32
      %lt3A_194 = arith.constant 128 : i32
      %lt3A_195 = arith.cmpi slt, %sub3A_193, %lt3A_194 : i32
      %convert_element_type3A_196 = arith.extui %lt3A_195 : i1 to i32
      %cond3A_197 = arith.constant 0 : i32
      %cond3A_198 = arith.cmpi ne, %convert_element_type3A_196, %cond3A_197 : i32
      scf.if %cond3A_198 {
        %add3A_229 = arith.constant 4 : i32
        %add3A_230 = arith.addi %add3A_189, %add3A_229 : i32
        %sub3A_231 = arith.constant 1 : i32
        %sub3A_232 = arith.subi %add3A_230, %sub3A_231 : i32
        %dma_start3A_233 = arith.constant 0 : i32
        %dma_start3A_234 = arith.constant 0 : i32
        %dma_start3A_235 = tpu.memref_slice %arg8[%dma_start3A_233, %dma_start3A_234] : memref<200x32xf32, #tpu.memory_space<vmem>> -> memref<128x32xf32, #tpu.memory_space<vmem>>
        %dma_start3A_236 = arith.constant 0 : i32
        %dma_start3A_237 = tpu.memref_slice %arg5[%sub3A_232, %dma_start3A_236] : memref<128x200xi32, #tpu.memory_space<vmem>> -> memref<1x128xi32, #tpu.memory_space<vmem>>
        %dma_start3A_238 = tpu.memref_squeeze %dma_start3A_237 : memref<1x128xi32, #tpu.memory_space<vmem>> -> memref<128xi32, #tpu.memory_space<vmem>>
        %dma_start3A_239 = arith.constant 0 : i32
        %dma_start3A_240 = arith.constant 0 : i32
        %dma_start3A_241 = tpu.memref_slice %arg3[%dma_start3A_239, %dma_start3A_240] : memref<1015808x32xf32, #tpu.memory_space<hbm>> -> memref<1015808x32xf32, #tpu.memory_space<hbm>>
        tpu.enqueue_indirect_dma source(%dma_start3A_241 : memref<1015808x32xf32, #tpu.memory_space<hbm>>) target(%dma_start3A_235 : memref<128x32xf32, #tpu.memory_space<vmem>>) offsets(%dma_start3A_238 : memref<128xi32, #tpu.memory_space<vmem>>) semaphore(%arg13 : memref<!tpu.dma_semaphore, #tpu.memory_space<semaphore_mem>>)
        %dma_start3A_242 = arith.constant 128 : i32
        %dma_start3A_243 = arith.constant 0 : i32
        %dma_start3A_244 = tpu.memref_slice %arg8[%dma_start3A_242, %dma_start3A_243] : memref<200x32xf32, #tpu.memory_space<vmem>> -> memref<72x32xf32, #tpu.memory_space<vmem>>
        %dma_start3A_245 = arith.constant 128 : i32
        %dma_start3A_246 = tpu.memref_slice %arg5[%sub3A_232, %dma_start3A_245] : memref<128x200xi32, #tpu.memory_space<vmem>> -> memref<1x72xi32, #tpu.memory_space<vmem>>
        %dma_start3A_247 = tpu.memref_squeeze %dma_start3A_246 : memref<1x72xi32, #tpu.memory_space<vmem>> -> memref<72xi32, #tpu.memory_space<vmem>>
        %dma_start3A_248 = arith.constant 0 : i32
        %dma_start3A_249 = arith.constant 0 : i32
        %dma_start3A_250 = tpu.memref_slice %arg3[%dma_start3A_248, %dma_start3A_249] : memref<1015808x32xf32, #tpu.memory_space<hbm>> -> memref<1015808x32xf32, #tpu.memory_space<hbm>>
        tpu.enqueue_indirect_dma source(%dma_start3A_250 : memref<1015808x32xf32, #tpu.memory_space<hbm>>) target(%dma_start3A_244 : memref<72x32xf32, #tpu.memory_space<vmem>>) offsets(%dma_start3A_247 : memref<72xi32, #tpu.memory_space<vmem>>) semaphore(%arg13 : memref<!tpu.dma_semaphore, #tpu.memory_space<semaphore_mem>>)
      } else {
      }
      %dma_wait3A_199 = arith.constant 0 : i32
      %dma_wait3A_200 = arith.constant 0 : i32
      %dma_wait3A_201 = tpu.memref_slice %arg3[%dma_wait3A_199, %dma_wait3A_200] : memref<1015808x32xf32, #tpu.memory_space<hbm>> -> memref<200x32xf32, #tpu.memory_space<hbm>>
      %dma_wait3A_202 = arith.constant 0 : i32
      %dma_wait3A_203 = arith.constant 0 : i32
      %dma_wait3A_204 = tpu.memref_slice %arg3[%dma_wait3A_202, %dma_wait3A_203] : memref<1015808x32xf32, #tpu.memory_space<hbm>> -> memref<200x32xf32, #tpu.memory_space<hbm>>
      tpu.wait_dma2 semaphore(%arg14 : memref<!tpu.dma_semaphore, #tpu.memory_space<semaphore_mem>>) src(%dma_wait3A_204 : memref<200x32xf32, #tpu.memory_space<hbm>>) dst(%arg9 : memref<200x32xf32, #tpu.memory_space<vmem>>)
      %broadcast_in_dim3A_205 = arith.constant 0.000000e+00 : f32
      %broadcast_in_dim3A_206 = vector.broadcast %broadcast_in_dim3A_205 : f32 to vector<16xf32>
      %scan3A_207 = arith.constant 0 : i32
      %scan3A_208 = arith.constant 100 : i32
      %scan3A_209 = arith.addi %scan3A_207, %scan3A_208 : i32
      %scan3A_210 = arith.constant 1 : i32
      %scan3A_211:8 = scf.for %scan3A_229 = %scan3A_207 to %scan3A_209 step %scan3A_210 iter_args(%scan3A_230 = %broadcast_in_dim3A_206, %scan3A_231 = %broadcast_in_dim3A_206, %scan3A_232 = %broadcast_in_dim3A_206, %scan3A_233 = %broadcast_in_dim3A_206, %scan3A_234 = %broadcast_in_dim3A_206, %scan3A_235 = %broadcast_in_dim3A_206, %scan3A_236 = %broadcast_in_dim3A_206, %scan3A_237 = %broadcast_in_dim3A_206) -> (vector<16xf32>, vector<16xf32>, vector<16xf32>, vector<16xf32>, vector<16xf32>, vector<16xf32>, vector<16xf32>, vector<16xf32>)  : i32 {
        %mul3A_238 = arith.constant 2 : i32
        %mul3A_239 = arith.muli %mul3A_238, %scan3A_229 : i32
        %get3A = arith.index_cast %mul3A_239 : i32 to index
        %get3A_240 = arith.constant 0 : index
        %get3A_241 = tpu.vector_load %arg9[%get3A, %get3A_240] {strides = array<i32>} : memref<200x32xf32, #tpu.memory_space<vmem>>, vector<16xf32>,
        %bitcast3A = vector.bitcast %get3A_241 : vector<16xf32> to vector<16xi32>
        %get3A_242 = arith.index_cast %mul3A_239 : i32 to index
        %get3A_243 = arith.constant 16 : index
        %get3A_244 = tpu.vector_load %arg9[%get3A_242, %get3A_243] {strides = array<i32>} : memref<200x32xf32, #tpu.memory_space<vmem>>, vector<16xf32>,
        %bitcast3A_245 = vector.bitcast %get3A_244 : vector<16xf32> to vector<16xi32>
        %shift_left3A = arith.constant 16 : i32
        %shift_left3A_246 = vector.broadcast %shift_left3A : i32 to vector<16xi32>
        %shift_left3A_247 = arith.shli %bitcast3A, %shift_left3A_246 : vector<16xi32>
        %bitcast3A_248 = vector.bitcast %shift_left3A_247 : vector<16xi32> to vector<16xf32>
        %add3A_249 = arith.addf %scan3A_230, %bitcast3A_248 : vector<16xf32>
        %shift_left3A_250 = arith.constant 16 : i32
        %shift_left3A_251 = vector.broadcast %shift_left3A_250 : i32 to vector<16xi32>
        %shift_left3A_252 = arith.shli %bitcast3A_245, %shift_left3A_251 : vector<16xi32>
        %bitcast3A_253 = vector.bitcast %shift_left3A_252 : vector<16xi32> to vector<16xf32>
        %add3A_254 = arith.addf %scan3A_231, %bitcast3A_253 : vector<16xf32>
        %and3A = arith.andi %bitcast3A, %broadcast_in_dim3A_3 : vector<16xi32>
        %bitcast3A_255 = vector.bitcast %and3A : vector<16xi32> to vector<16xf32>
        %add3A_256 = arith.addf %scan3A_232, %bitcast3A_255 : vector<16xf32>
        %and3A_257 = arith.andi %bitcast3A_245, %broadcast_in_dim3A_3 : vector<16xi32>
        %bitcast3A_258 = vector.bitcast %and3A_257 : vector<16xi32> to vector<16xf32>
        %add3A_259 = arith.addf %scan3A_233, %bitcast3A_258 : vector<16xf32>
        %mul3A_260 = arith.constant 2 : i32
        %mul3A_261 = arith.muli %mul3A_260, %scan3A_229 : i32
        %add3A_262 = arith.constant 1 : i32
        %add3A_263 = arith.addi %mul3A_261, %add3A_262 : i32
        %get3A_264 = arith.index_cast %add3A_263 : i32 to index
        %get3A_265 = arith.constant 0 : index
        %get3A_266 = tpu.vector_load %arg9[%get3A_264, %get3A_265] {strides = array<i32>} : memref<200x32xf32, #tpu.memory_space<vmem>>, vector<16xf32>,
        %bitcast3A_267 = vector.bitcast %get3A_266 : vector<16xf32> to vector<16xi32>
        %get3A_268 = arith.index_cast %add3A_263 : i32 to index
        %get3A_269 = arith.constant 16 : index
        %get3A_270 = tpu.vector_load %arg9[%get3A_268, %get3A_269] {strides = array<i32>} : memref<200x32xf32, #tpu.memory_space<vmem>>, vector<16xf32>,
        %bitcast3A_271 = vector.bitcast %get3A_270 : vector<16xf32> to vector<16xi32>
        %shift_left3A_272 = arith.constant 16 : i32
        %shift_left3A_273 = vector.broadcast %shift_left3A_272 : i32 to vector<16xi32>
        %shift_left3A_274 = arith.shli %bitcast3A_267, %shift_left3A_273 : vector<16xi32>
        %bitcast3A_275 = vector.bitcast %shift_left3A_274 : vector<16xi32> to vector<16xf32>
        %add3A_276 = arith.addf %scan3A_234, %bitcast3A_275 : vector<16xf32>
        %shift_left3A_277 = arith.constant 16 : i32
        %shift_left3A_278 = vector.broadcast %shift_left3A_277 : i32 to vector<16xi32>
        %shift_left3A_279 = arith.shli %bitcast3A_271, %shift_left3A_278 : vector<16xi32>
        %bitcast3A_280 = vector.bitcast %shift_left3A_279 : vector<16xi32> to vector<16xf32>
        %add3A_281 = arith.addf %scan3A_235, %bitcast3A_280 : vector<16xf32>
        %and3A_282 = arith.andi %bitcast3A_267, %broadcast_in_dim3A_3 : vector<16xi32>
        %bitcast3A_283 = vector.bitcast %and3A_282 : vector<16xi32> to vector<16xf32>
        %add3A_284 = arith.addf %scan3A_236, %bitcast3A_283 : vector<16xf32>
        %and3A_285 = arith.andi %bitcast3A_271, %broadcast_in_dim3A_3 : vector<16xi32>
        %bitcast3A_286 = vector.bitcast %and3A_285 : vector<16xi32> to vector<16xf32>
        %add3A_287 = arith.addf %scan3A_237, %bitcast3A_286 : vector<16xf32>
        scf.yield %add3A_249, %add3A_254, %add3A_256, %add3A_259, %add3A_276, %add3A_281, %add3A_284, %add3A_287 : vector<16xf32>, vector<16xf32>, vector<16xf32>, vector<16xf32>, vector<16xf32>, vector<16xf32>, vector<16xf32>, vector<16xf32>
      }
      %scan3A_212 = arith.constant 100 : i32
      %add3A_213 = arith.addf %scan3A_211#0, %scan3A_211#4 : vector<16xf32>
      %swap3A_214 = arith.index_cast %add3A_189 : i32 to index
      %swap3A_215 = arith.constant 0 : index
      %swap3A_216 = tpu.vector_load %arg10[%swap3A_214, %swap3A_215] {strides = array<i32>} : memref<128x64xf32, #tpu.memory_space<vmem>>, vector<16xf32>,
      tpu.vector_store %arg10[%swap3A_214, %swap3A_215], %add3A_213 {strides = array<i32>} : memref<128x64xf32, #tpu.memory_space<vmem>>, vector<16xf32>,
      %add3A_217 = arith.addf %scan3A_211#1, %scan3A_211#5 : vector<16xf32>
      %swap3A_218 = arith.index_cast %add3A_189 : i32 to index
      %swap3A_219 = arith.constant 16 : index
      %swap3A_220 = tpu.vector_load %arg10[%swap3A_218, %swap3A_219] {strides = array<i32>} : memref<128x64xf32, #tpu.memory_space<vmem>>, vector<16xf32>,
      tpu.vector_store %arg10[%swap3A_218, %swap3A_219], %add3A_217 {strides = array<i32>} : memref<128x64xf32, #tpu.memory_space<vmem>>, vector<16xf32>,
      %add3A_221 = arith.addf %scan3A_211#2, %scan3A_211#6 : vector<16xf32>
      %swap3A_222 = arith.index_cast %add3A_189 : i32 to index
      %swap3A_223 = arith.constant 32 : index
      %swap3A_224 = tpu.vector_load %arg10[%swap3A_222, %swap3A_223] {strides = array<i32>} : memref<128x64xf32, #tpu.memory_space<vmem>>, vector<16xf32>,
      tpu.vector_store %arg10[%swap3A_222, %swap3A_223], %add3A_221 {strides = array<i32>} : memref<128x64xf32, #tpu.memory_space<vmem>>, vector<16xf32>,
      %add3A_225 = arith.addf %scan3A_211#3, %scan3A_211#7 : vector<16xf32>
      %swap3A_226 = arith.index_cast %add3A_189 : i32 to index
      %swap3A_227 = arith.constant 48 : index
      %swap3A_228 = tpu.vector_load %arg10[%swap3A_226, %swap3A_227] {strides = array<i32>} : memref<128x64xf32, #tpu.memory_space<vmem>>, vector<16xf32>,
      tpu.vector_store %arg10[%swap3A_226, %swap3A_227], %add3A_225 {strides = array<i32>} : memref<128x64xf32, #tpu.memory_space<vmem>>, vector<16xf32>,
    }
    %scan3A_67 = arith.constant 32 : i32
    "tpu.region"() ({
      %run_scoped3A = tpu.sem_alloc : memref<!tpu.dma_semaphore, #tpu.memory_space<semaphore_mem>>
      %dma_start3A_68 = arith.constant 0 : i32
      %dma_start3A_69 = tpu.memref_slice %arg4[%mul3A_2, %dma_start3A_68] : memref<4096x64xf32, #tpu.memory_space<hbm>> -> memref<128x64xf32, #tpu.memory_space<hbm>>
      %dma_start3A_70 = arith.constant 0 : i32
      %dma_start3A_71 = tpu.memref_slice %arg4[%mul3A_2, %dma_start3A_70] : memref<4096x64xf32, #tpu.memory_space<hbm>> -> memref<128x64xf32, #tpu.memory_space<hbm>>
      tpu.enqueue_dma source(%arg10 : memref<128x64xf32, #tpu.memory_space<vmem>>) target(%dma_start3A_71 : memref<128x64xf32, #tpu.memory_space<hbm>>) target_semaphore(%run_scoped3A : memref<!tpu.dma_semaphore, #tpu.memory_space<semaphore_mem>>)
      %dma_wait3A = arith.constant 0 : i32
      %dma_wait3A_72 = tpu.memref_slice %arg4[%mul3A_2, %dma_wait3A] : memref<4096x64xf32, #tpu.memory_space<hbm>> -> memref<128x64xf32, #tpu.memory_space<hbm>>
      %dma_wait3A_73 = arith.constant 0 : i32
      %dma_wait3A_74 = tpu.memref_slice %arg4[%mul3A_2, %dma_wait3A_73] : memref<4096x64xf32, #tpu.memory_space<hbm>> -> memref<128x64xf32, #tpu.memory_space<hbm>>
      tpu.wait_dma2 semaphore(%run_scoped3A : memref<!tpu.dma_semaphore, #tpu.memory_space<semaphore_mem>>) src(%arg10 : memref<128x64xf32, #tpu.memory_space<vmem>>) dst(%dma_wait3A_74 : memref<128x64xf32, #tpu.memory_space<hbm>>)
      tpu.yield
    }) : () -> ()
    return
  }
}

module attributes {stable_mosaic.version = 14 : i64} {
  func.func @pack_kernel(%arg0: i32, %arg1: memref<64x8192xf32, #tpu.memory_space<vmem>>, %arg2: memref<64x8192xf32, #tpu.memory_space<vmem>>, %arg3: memref<64x8192xf32, #tpu.memory_space<vmem>>, %arg4: memref<64x8192xf32, #tpu.memory_space<vmem>>, %arg5: memref<8192x128xf32, #tpu.memory_space<vmem>>) attributes {dimension_semantics = [#tpu.dimension_semantics<arbitrary>], iteration_bounds = array<i64: 31>, scalar_prefetch = 0 : i64, scratch_operands = 0 : i64, tpu.core_type = #tpu.core_type<tc>, window_params = [{transform_indices = @transform_0, window_bounds = array<i64: 64, 8192>}, {transform_indices = @transform_1, window_bounds = array<i64: 64, 8192>}, {transform_indices = @transform_2, window_bounds = array<i64: 64, 8192>}, {transform_indices = @transform_3, window_bounds = array<i64: 64, 8192>}, {transform_indices = @transform_4, window_bounds = array<i64: 8192, 128>}]} {
    %get3A = arith.constant 0 : index
    %get3A_0 = arith.constant 0 : index
    %get3A_1 = vector.load %arg1[%get3A, %get3A_0] : memref<64x8192xf32, #tpu.memory_space<vmem>>, vector<64x8192xf32>
    %convert_element_type3A = arith.truncf %get3A_1 : vector<64x8192xf32> to vector<64x8192xbf16>
    %transpose3A = tpu.transpose %convert_element_type3A, [1, 0] : vector<64x8192xbf16> -> vector<8192x64xbf16>
    %slice3A = vector.extract_strided_slice %transpose3A {offsets = [0, 0], sizes = [8192, 32], strides = [1, 1]} : vector<8192x64xbf16> to vector<8192x32xbf16>
    %bitcast_convert_type3A = tpu.bitcast %slice3A : vector<8192x32xbf16> -> vector<8192x32xi16>
    %convert_element_type3A_2 = arith.extui %bitcast_convert_type3A : vector<8192x32xi16> to vector<8192x32xi32>
    %slice3A_3 = vector.extract_strided_slice %transpose3A {offsets = [0, 32], sizes = [8192, 32], strides = [1, 1]} : vector<8192x64xbf16> to vector<8192x32xbf16>
    %bitcast_convert_type3A_4 = tpu.bitcast %slice3A_3 : vector<8192x32xbf16> -> vector<8192x32xi16>
    %convert_element_type3A_5 = arith.extui %bitcast_convert_type3A_4 : vector<8192x32xi16> to vector<8192x32xi32>
    %shift_left3A = arith.constant 16 : i32
    %shift_left3A_6 = vector.broadcast %shift_left3A : i32 to vector<8192x32xi32>
    %shift_left3A_7 = arith.shli %convert_element_type3A_5, %shift_left3A_6 : vector<8192x32xi32>
    %or3A = arith.ori %convert_element_type3A_2, %shift_left3A_7 : vector<8192x32xi32>
    %bitcast_convert_type3A_8 = tpu.bitcast %or3A : vector<8192x32xi32> -> vector<8192x32xf32>
    %swap3A = arith.constant 0 : index
    %swap3A_9 = arith.constant 0 : index
    %swap3A_10 = vector.load %arg5[%swap3A, %swap3A_9] : memref<8192x128xf32, #tpu.memory_space<vmem>>, vector<8192x32xf32>
    tpu.vector_store %arg5[%swap3A, %swap3A_9], %bitcast_convert_type3A_8 {strides = array<i32>} : memref<8192x128xf32, #tpu.memory_space<vmem>>, vector<8192x32xf32>,
    %get3A_11 = arith.constant 0 : index
    %get3A_12 = arith.constant 0 : index
    %get3A_13 = vector.load %arg2[%get3A_11, %get3A_12] : memref<64x8192xf32, #tpu.memory_space<vmem>>, vector<64x8192xf32>
    %convert_element_type3A_14 = arith.truncf %get3A_13 : vector<64x8192xf32> to vector<64x8192xbf16>
    %transpose3A_15 = tpu.transpose %convert_element_type3A_14, [1, 0] : vector<64x8192xbf16> -> vector<8192x64xbf16>
    %slice3A_16 = vector.extract_strided_slice %transpose3A_15 {offsets = [0, 0], sizes = [8192, 32], strides = [1, 1]} : vector<8192x64xbf16> to vector<8192x32xbf16>
    %bitcast_convert_type3A_17 = tpu.bitcast %slice3A_16 : vector<8192x32xbf16> -> vector<8192x32xi16>
    %convert_element_type3A_18 = arith.extui %bitcast_convert_type3A_17 : vector<8192x32xi16> to vector<8192x32xi32>
    %slice3A_19 = vector.extract_strided_slice %transpose3A_15 {offsets = [0, 32], sizes = [8192, 32], strides = [1, 1]} : vector<8192x64xbf16> to vector<8192x32xbf16>
    %bitcast_convert_type3A_20 = tpu.bitcast %slice3A_19 : vector<8192x32xbf16> -> vector<8192x32xi16>
    %convert_element_type3A_21 = arith.extui %bitcast_convert_type3A_20 : vector<8192x32xi16> to vector<8192x32xi32>
    %shift_left3A_22 = arith.constant 16 : i32
    %shift_left3A_23 = vector.broadcast %shift_left3A_22 : i32 to vector<8192x32xi32>
    %shift_left3A_24 = arith.shli %convert_element_type3A_21, %shift_left3A_23 : vector<8192x32xi32>
    %or3A_25 = arith.ori %convert_element_type3A_18, %shift_left3A_24 : vector<8192x32xi32>
    %bitcast_convert_type3A_26 = tpu.bitcast %or3A_25 : vector<8192x32xi32> -> vector<8192x32xf32>
    %swap3A_27 = arith.constant 0 : index
    %swap3A_28 = arith.constant 32 : index
    %swap3A_29 = vector.load %arg5[%swap3A_27, %swap3A_28] : memref<8192x128xf32, #tpu.memory_space<vmem>>, vector<8192x32xf32>
    tpu.vector_store %arg5[%swap3A_27, %swap3A_28], %bitcast_convert_type3A_26 {strides = array<i32>} : memref<8192x128xf32, #tpu.memory_space<vmem>>, vector<8192x32xf32>,
    %get3A_30 = arith.constant 0 : index
    %get3A_31 = arith.constant 0 : index
    %get3A_32 = vector.load %arg3[%get3A_30, %get3A_31] : memref<64x8192xf32, #tpu.memory_space<vmem>>, vector<64x8192xf32>
    %convert_element_type3A_33 = arith.truncf %get3A_32 : vector<64x8192xf32> to vector<64x8192xbf16>
    %transpose3A_34 = tpu.transpose %convert_element_type3A_33, [1, 0] : vector<64x8192xbf16> -> vector<8192x64xbf16>
    %slice3A_35 = vector.extract_strided_slice %transpose3A_34 {offsets = [0, 0], sizes = [8192, 32], strides = [1, 1]} : vector<8192x64xbf16> to vector<8192x32xbf16>
    %bitcast_convert_type3A_36 = tpu.bitcast %slice3A_35 : vector<8192x32xbf16> -> vector<8192x32xi16>
    %convert_element_type3A_37 = arith.extui %bitcast_convert_type3A_36 : vector<8192x32xi16> to vector<8192x32xi32>
    %slice3A_38 = vector.extract_strided_slice %transpose3A_34 {offsets = [0, 32], sizes = [8192, 32], strides = [1, 1]} : vector<8192x64xbf16> to vector<8192x32xbf16>
    %bitcast_convert_type3A_39 = tpu.bitcast %slice3A_38 : vector<8192x32xbf16> -> vector<8192x32xi16>
    %convert_element_type3A_40 = arith.extui %bitcast_convert_type3A_39 : vector<8192x32xi16> to vector<8192x32xi32>
    %shift_left3A_41 = arith.constant 16 : i32
    %shift_left3A_42 = vector.broadcast %shift_left3A_41 : i32 to vector<8192x32xi32>
    %shift_left3A_43 = arith.shli %convert_element_type3A_40, %shift_left3A_42 : vector<8192x32xi32>
    %or3A_44 = arith.ori %convert_element_type3A_37, %shift_left3A_43 : vector<8192x32xi32>
    %bitcast_convert_type3A_45 = tpu.bitcast %or3A_44 : vector<8192x32xi32> -> vector<8192x32xf32>
    %swap3A_46 = arith.constant 0 : index
    %swap3A_47 = arith.constant 64 : index
    %swap3A_48 = vector.load %arg5[%swap3A_46, %swap3A_47] : memref<8192x128xf32, #tpu.memory_space<vmem>>, vector<8192x32xf32>
    tpu.vector_store %arg5[%swap3A_46, %swap3A_47], %bitcast_convert_type3A_45 {strides = array<i32>} : memref<8192x128xf32, #tpu.memory_space<vmem>>, vector<8192x32xf32>,
    %get3A_49 = arith.constant 0 : index
    %get3A_50 = arith.constant 0 : index
    %get3A_51 = vector.load %arg4[%get3A_49, %get3A_50] : memref<64x8192xf32, #tpu.memory_space<vmem>>, vector<64x8192xf32>
    %convert_element_type3A_52 = arith.truncf %get3A_51 : vector<64x8192xf32> to vector<64x8192xbf16>
    %transpose3A_53 = tpu.transpose %convert_element_type3A_52, [1, 0] : vector<64x8192xbf16> -> vector<8192x64xbf16>
    %slice3A_54 = vector.extract_strided_slice %transpose3A_53 {offsets = [0, 0], sizes = [8192, 32], strides = [1, 1]} : vector<8192x64xbf16> to vector<8192x32xbf16>
    %bitcast_convert_type3A_55 = tpu.bitcast %slice3A_54 : vector<8192x32xbf16> -> vector<8192x32xi16>
    %convert_element_type3A_56 = arith.extui %bitcast_convert_type3A_55 : vector<8192x32xi16> to vector<8192x32xi32>
    %slice3A_57 = vector.extract_strided_slice %transpose3A_53 {offsets = [0, 32], sizes = [8192, 32], strides = [1, 1]} : vector<8192x64xbf16> to vector<8192x32xbf16>
    %bitcast_convert_type3A_58 = tpu.bitcast %slice3A_57 : vector<8192x32xbf16> -> vector<8192x32xi16>
    %convert_element_type3A_59 = arith.extui %bitcast_convert_type3A_58 : vector<8192x32xi16> to vector<8192x32xi32>
    %shift_left3A_60 = arith.constant 16 : i32
    %shift_left3A_61 = vector.broadcast %shift_left3A_60 : i32 to vector<8192x32xi32>
    %shift_left3A_62 = arith.shli %convert_element_type3A_59, %shift_left3A_61 : vector<8192x32xi32>
    %or3A_63 = arith.ori %convert_element_type3A_56, %shift_left3A_62 : vector<8192x32xi32>
    %bitcast_convert_type3A_64 = tpu.bitcast %or3A_63 : vector<8192x32xi32> -> vector<8192x32xf32>
    %swap3A_65 = arith.constant 0 : index
    %swap3A_66 = arith.constant 96 : index
    %swap3A_67 = vector.load %arg5[%swap3A_65, %swap3A_66] : memref<8192x128xf32, #tpu.memory_space<vmem>>, vector<8192x32xf32>
    tpu.vector_store %arg5[%swap3A_65, %swap3A_66], %bitcast_convert_type3A_64 {strides = array<i32>} : memref<8192x128xf32, #tpu.memory_space<vmem>>, vector<8192x32xf32>,
    return
  }
  func.func @transform_0(%arg0: i32) -> (i32, i32) {
    %mul3A = arith.constant 4 : i32
    %mul3A_0 = arith.muli %mul3A, %arg0 : i32
    %add3A = arith.constant 0 : i32
    %add3A_1 = arith.addi %mul3A_0, %add3A : i32
    %min3A = arith.constant 122 : i32
    %min3A_2 = arith.minsi %add3A_1, %min3A : i32
    %c0_i32 = arith.constant 0 : i32
    %c0_i32_3 = arith.constant 0 : i32
    return %c0_i32, %min3A_2 : i32, i32
  }
  func.func @transform_1(%arg0: i32) -> (i32, i32) {
    %mul3A = arith.constant 4 : i32
    %mul3A_0 = arith.muli %mul3A, %arg0 : i32
    %add3A = arith.constant 1 : i32
    %add3A_1 = arith.addi %mul3A_0, %add3A : i32
    %min3A = arith.constant 122 : i32
    %min3A_2 = arith.minsi %add3A_1, %min3A : i32
    %c0_i32 = arith.constant 0 : i32
    %c0_i32_3 = arith.constant 0 : i32
    return %c0_i32, %min3A_2 : i32, i32
  }
  func.func @transform_2(%arg0: i32) -> (i32, i32) {
    %mul3A = arith.constant 4 : i32
    %mul3A_0 = arith.muli %mul3A, %arg0 : i32
    %add3A = arith.constant 2 : i32
    %add3A_1 = arith.addi %mul3A_0, %add3A : i32
    %min3A = arith.constant 122 : i32
    %min3A_2 = arith.minsi %add3A_1, %min3A : i32
    %c0_i32 = arith.constant 0 : i32
    %c0_i32_3 = arith.constant 0 : i32
    return %c0_i32, %min3A_2 : i32, i32
  }
  func.func @transform_3(%arg0: i32) -> (i32, i32) {
    %mul3A = arith.constant 4 : i32
    %mul3A_0 = arith.muli %mul3A, %arg0 : i32
    %add3A = arith.constant 3 : i32
    %add3A_1 = arith.addi %mul3A_0, %add3A : i32
    %min3A = arith.constant 122 : i32
    %min3A_2 = arith.minsi %add3A_1, %min3A : i32
    %c0_i32 = arith.constant 0 : i32
    %c0_i32_3 = arith.constant 0 : i32
    return %c0_i32, %min3A_2 : i32, i32
  }
  func.func @transform_4(%arg0: i32) -> (i32, i32) {
    %c0_i32 = arith.constant 0 : i32
    %c0_i32_0 = arith.constant 0 : i32
    return %arg0, %c0_i32 : i32, i32
  }
}

module attributes {stable_mosaic.version = 14 : i64} {
  func.func @head_kernel(%arg0: memref<4096x64xf32, #tpu.memory_space<vmem>>, %arg1: memref<64x100xf32, #tpu.memory_space<vmem>>, %arg2: memref<1x100xf32, #tpu.memory_space<vmem>>, %arg3: memref<4096x100xf32, #tpu.memory_space<vmem>>) attributes {dimension_semantics = [], scalar_prefetch = 0 : i64, scratch_operands = 0 : i64, tpu.core_type = #tpu.core_type<tc>} {
    %get3A = arith.constant 0 : index
    %get3A_0 = arith.constant 0 : index
    %get3A_1 = vector.load %arg0[%get3A, %get3A_0] : memref<4096x64xf32, #tpu.memory_space<vmem>>, vector<4096x64xf32>
    %get3A_2 = arith.constant 0 : index
    %get3A_3 = arith.constant 0 : index
    %get3A_4 = vector.load %arg1[%get3A_2, %get3A_3] : memref<64x100xf32, #tpu.memory_space<vmem>>, vector<64x100xf32>
    %dot_general3A = arith.constant dense<0.000000e+00> : vector<4096x100xf32>
    %dot_general3A_5 = tpu.matmul %get3A_1, %get3A_4, %dot_general3A {dimension_numbers = #tpu.dot_dimension_numbers<[1], [0], [0], [1], [0, 0, 1, 1], [], []>, transpose_lhs_hint = false} : vector<4096x64xf32>, vector<64x100xf32>, vector<4096x100xf32> -> vector<4096x100xf32>
    %mul3A = arith.constant 5.000000e-03 : f32
    %mul3A_6 = vector.broadcast %mul3A : f32 to vector<4096x100xf32>
    %mul3A_7 = arith.mulf %dot_general3A_5, %mul3A_6 : vector<4096x100xf32>
    %get3A_8 = arith.constant 0 : index
    %get3A_9 = arith.constant 0 : index
    %get3A_10 = vector.load %arg2[%get3A_8, %get3A_9] : memref<1x100xf32, #tpu.memory_space<vmem>>, vector<1x100xf32>
    %add3A = vector.broadcast %get3A_10 : vector<1x100xf32> to vector<4096x100xf32>
    %add3A_11 = arith.addf %mul3A_7, %add3A : vector<4096x100xf32>
    %swap3A = arith.constant 0 : index
    %swap3A_12 = arith.constant 0 : index
    %swap3A_13 = vector.load %arg3[%swap3A, %swap3A_12] : memref<4096x100xf32, #tpu.memory_space<vmem>>, vector<4096x100xf32>
    tpu.vector_store %arg3[%swap3A, %swap3A_12], %add3A_11 {strides = array<i32>} : memref<4096x100xf32, #tpu.memory_space<vmem>>, vector<4096x100xf32>,
    return
  }
}

</mosaic_0001>

<sc_bundles>
// kernel: kernel.5.cloned.1.call-start
scs
__scs_entry_jumppad:
0x0: {  	(pc) =	sbr.rel $0x88, $3  }
0x1: {  	(tag) =	ssettag $0x0;
	lr =	simm.s32 $0x1  }
0x2: {  	[smem:$0x3F9D] =	sst lr;
	_ =	strace $0xD0000000  }
0x3: {  	_ = 	snop  }
0x4: {  	_ = 	snop  }
0x5: {  	_ = 	snop  }
0x6: {  	_ = 	snop  }
0x7: {  	_ = 	snop  }
__scs_overlays_trampoline_lowered:
0x8: {  	[smem:$0x3FAC] =	sst s0  }
0x9: {  	[smem:$0x3FAD] =	sst s1  }
0xa: {  	[smem:$0x3FAE] =	sst s2  }
0xb: {  	[smem:$0x3FAF] =	sst s3  }
0xc: {  	[smem:$0x3FB0] =	sst s4  }
0xd: {  	[smem:$0x3FB1] =	sst s5  }
0xe: {  	[smem:$0x3FB2] =	sst s6  }
0xf: {  	[smem:$0x3FB3] =	sst s7  }
0x10: {  	[smem:$0x3FB4] =	sst s8  }
0x11: {  	[smem:$0x3FB5] =	sst s9;
	s0 =	simm.s32 @!p0 $0x0  }
0x12: {  	s1 =	sld [smem:$0x3F9B];
	s0 =	simm.s32 @p0 $0x1  }
0x13: {  	[smem:$0x3FB6] =	sst s0;
	s0 =	simm.s32 @!p1 $0x0  }
0x14: {  	s2 =	sld [smem:$0x3F9A];
	s0 =	simm.s32 @p1 $0x1  }
0x15: {  	[smem:$0x3FB7] =	sst s0;
	s0 =	simm.s32 @!p2 $0x0  }
0x16: {  	s3 =	sld [smem:$0x3FDB];
	s0 =	simm.s32 @p2 $0x1  }
0x17: {  	s4 =	simm.s32 $0x1BF5;
	[smem:$0x3FB9] =	sst s0  }
0x18: {  	s0 =	sld [smem:$0x3F9C];
	_ =	swait.ge [sflag:s4], $0x0  }
0x19: {  	s7 =	sld [smem:$0x3F9D]  }
0x1a: {  	s8 =	sadd.s32 $0xFFFFE003, lr  }
0x1b: {  	s9 =	sadd.s32 $0xFFFFFEF7, lr;
	s5 =	simm.s32 $0xFFFFFFFF;
	p2 =	slt.u32 s8, $0xFFFFF086  }
0x1c: {  	p1 =	slt.u32 s9, $0xF7A;
	s5 =	simm.s32 @!p2 $0x0  }
0x1d: {  	s5 =	simm.s32 @p1 $0x1;
	p0 =	seq.s32 s7, s2  }
0x1e: {  	s7 =	smul.u32 @!p0 $0xF7A, s2;
	p2 =	seq.s32 @!p0 s5, $0x0  }
0x1f: {  	s9 =	smul.u32 $0xF7A, s1;
	s8 =	simm.s32 @!p0 $0x1BF5;
	p2 =	por !p2, p0  }
0x20: {  	[sflag:s8] =	ssyncset.s32 @!p0 $0xFFFFF086;
	s6 =	sadd.s32 @!p0 s3, s7;
	s7 =	simm.s32 @!p0 $0x108  }
0x21: {  	s3 =	sadd.s32 s3, s9;
	s6 =	sadd.s32 @!p0 $0x88, s6;
	s7 =	simm.s32 @p2 $0x1082  }
0x22: {  	[simem:s7], [sflag:s8] =	dma.local @!p0 [hbm:s6], $0xF7A  }
0x23: {  	s9 =	sor.u32 $0xD0000000, s2;
	s6 =	simm.s32 $0x108;
	_ =	swait.ge @!p0 [sflag:s8], $0x0  }
0x24: {  	s3 =	sadd.s32 $0x88, s3;
	s6 =	simm.s32 @!p1 $0x1082;
	[sflag:s4] =	ssyncset.s32 $0xFFFFF086  }
0x25: {  	[simem:s6], [sflag:s4] =	dma.local [hbm:s3], $0xF7A  }
0x26: {  	[smem:$0x3F9D] =	sst s1;
	(tag) =	ssettag s2;
	_ =	strace s9  }
0x27: {  	s1 =	sld [smem:$0x3FAD]  }
0x28: {  	s2 =	sld [smem:$0x3FAE]  }
0x29: {  	s4 =	sld [smem:$0x3FB0]  }
0x2a: {  	p0 =	seq.s32 s5, $0x0;
	s5 =	sld [smem:$0x3FB1]  }
0x2b: {  	s6 =	sld [smem:$0x3FB2]  }
0x2c: {  	s7 =	sld [smem:$0x3FB3]  }
0x2d: {  	s3 =	simm.s32 $0x108;
	s8 =	sld [smem:$0x3FB4]  }
0x2e: {  	s3 =	simm.s32 @!p0 $0x1082;
	s9 =	sld [smem:$0x3FB5]  }
0x2f: {  	lr =	sadd.s32 s0, s3;
	s0 =	sld [smem:$0x3FAC]  }
0x30: {  	s3 =	sld [smem:$0x3FAF]  }
0x31: {  	[smem:$0x3FB8] =	sst s10  }
0x32: {  	s10 =	sld [smem:$0x3FB6];
	_ =	sdelay $0x3  }
0x33: {  	p0 =	seq.s32 s10, $0x1;
	s10 =	sld [smem:$0x3FB8];
	_ =	sdelay $0x3  }
0x34: {  	[smem:$0x3FB8] =	sst s10  }
0x35: {  	s10 =	sld [smem:$0x3FB7];
	_ =	sdelay $0x3  }
0x36: {  	p1 =	seq.s32 s10, $0x1;
	s10 =	sld [smem:$0x3FB8];
	_ =	sdelay $0x3  }
0x37: {  	[smem:$0x3FB8] =	sst s10  }
0x38: {  	s10 =	sld [smem:$0x3FB9]  }
0x39: {  	_ = 	snop;
	(pc) =	sbr.ind lr, $3  }
0x3a: {  	_ = 	snop  }
0x3b: {  	_ = 	snop  }
0x3c: {  	p2 =	seq.s32 s10, $0x1;
	s10 =	sld [smem:$0x3FB8]  }
0x3d: {  	_ =	shalt  }
0x3e: {  	_ =	shalt  }
0x3f: {  	_ =	shalt  }
0x40: {  	_ =	shalt  }
0x41: {  	_ =	shalt  }
0x42: {  	_ =	shalt  }
0x43: {  	_ =	shalt  }
0x44: {  	_ =	shalt  }
0x45: {  	_ =	shalt  }
0x46: {  	_ =	shalt  }
0x47: {  	_ =	shalt  }
0x48: {  	_ =	shalt  }
0x49: {  	_ =	shalt  }
0x4a: {  	_ =	shalt  }
0x4b: {  	_ =	shalt  }
0x4c: {  	_ =	shalt  }
0x4d: {  	_ =	shalt  }
0x4e: {  	_ =	shalt  }
0x4f: {  	_ =	shalt  }
0x50: {  	_ =	shalt  }
0x51: {  	_ =	shalt  }
0x52: {  	_ =	shalt  }
0x53: {  	_ =	shalt  }
0x54: {  	_ =	shalt  }
0x55: {  	_ =	shalt  }
0x56: {  	_ =	shalt  }
0x57: {  	_ =	shalt  }
0x58: {  	_ =	shalt  }
0x59: {  	_ =	shalt  }
0x5a: {  	_ =	shalt  }
0x5b: {  	_ =	shalt  }
0x5c: {  	_ =	shalt  }
0x5d: {  	_ =	shalt  }
0x5e: {  	_ =	shalt  }
0x5f: {  	_ =	shalt  }
0x60: {  	_ =	shalt  }
0x61: {  	_ =	shalt  }
0x62: {  	_ =	shalt  }
0x63: {  	_ =	shalt  }
0x64: {  	_ =	shalt  }
0x65: {  	_ =	shalt  }
0x66: {  	_ =	shalt  }
0x67: {  	_ =	shalt  }
0x68: {  	_ =	shalt  }
0x69: {  	_ =	shalt  }
0x6a: {  	_ =	shalt  }
0x6b: {  	_ =	shalt  }
0x6c: {  	_ =	shalt  }
0x6d: {  	_ =	shalt  }
0x6e: {  	_ =	shalt  }
0x6f: {  	_ =	shalt  }
0x70: {  	_ =	shalt  }
0x71: {  	_ =	shalt  }
0x72: {  	_ =	shalt  }
0x73: {  	_ =	shalt  }
0x74: {  	_ =	shalt  }
0x75: {  	_ =	shalt  }
0x76: {  	_ =	shalt  }
0x77: {  	_ =	shalt  }
0x78: {  	_ =	shalt  }
0x79: {  	_ =	shalt  }
0x7a: {  	_ =	shalt  }
0x7b: {  	_ =	shalt  }
0x7c: {  	_ =	shalt  }
0x7d: {  	_ =	shalt  }
0x7e: {  	_ =	shalt  }
0x7f: {  	_ =	shalt  }
0x80: {  	_ =	shalt  }
0x81: {  	_ =	shalt  }
0x82: {  	_ =	shalt  }
0x83: {  	_ =	shalt  }
0x84: {  	_ =	shalt  }
0x85: {  	_ =	shalt  }
0x86: {  	_ =	shalt  }
0x87: {  	_ =	shalt  }
.Lfunc_end0:
.L_simem_size_0:
called_computation_lowered:
.L_overlay_start_0:
0x88: {  	s2 =	sld [smem:$0x3FD9]  }
0x89: {  	s3 =	sld [smem:$0x3FFE];
	_ =	sdelay $0x1  }
0x8a: {  	s1 =	srdreg.scid  }
0x8b: {  	s0 =	sand.u32 $0x1, s1  }
0x8c: {  	s17 =	sshll.u32 s0, $0xA;
	s2 =	sadd.s32 s3, s2  }
0x8d: {  	s2 =	sadd.s32 s2, s17  }
0x8e: {  	[smem:$0x3FC4] =	sst s2  }
0x8f: {  	_ = 	snop  }
0x90: {  	s2 =	sld [smem:$0x3FD0];
	(tm) =	ssettm $0x1  }
0x91: {  	s18 =	sld [smem:$0x3FFB];
	_ =	sdelay $0x3  }
0x92: {  	_ =	strace s18  }
0x93: {  	s3 =	sld [smem:$0x3FFC];
	_ =	sdelay $0x3  }
0x94: {  	_ =	strace s3  }
0x95: {  	s3 =	sld [smem:$0x3FFD];
	_ =	sdelay $0x3  }
0x96: {  	_ =	strace s3  }
0x97: {  	_ =	strace $0x8FFFFFFF  }
0x98: {  	s19 =	sld [smem:$0x3FDB];
	_ =	sdelay $0x1  }
0x99: {  	s4 =	simm.s32 $_scs_section_size  }
0x9a: {  	s5 =	simm.s32 $_size__tile_overlayer_lowered;
	s6 =	simm.s32 $_tile_overlayer_lowered  }
0x9b: {  	s22 =	simm.s32 $0x1BFF;
	s21 =	sshll.u32 s6, $0x1;
	s3 =	sadd.s32 s4, s19  }
0x9c: {  	s7 =	simm.s32 $0x0;
	s20 =	sshll.u32 s5, $0x1;
	s5 =	sadd.s32 s21, s3  }
0x9d: {  	[timem:s7], [sflag:s22] =	dma.local [hbm:s5], s20  }
0x9e: {  	_ =	swait.ge [sflag:s22], s20  }
0x9f: {  	s4 =	ssub.s32 $0x0, s20;
	[sflag:s22] =	ssyncset.done $0x0  }
0xa0: {  	[sflag:s22] =	ssyncadd.s32 s4;
	_ =	sdelay $0x1  }
0xa1: {  	s23 =	simm.s32 $0x1B8B  }
0xa2: {  	_ =	swait.ge [sflag:s23], $0x1  }
0xa3: {  	[sflag:s23] =	ssyncset.done $0x0  }
0xa4: {  	s25 =	simm.s32 $0x1B8E;
	s24 =	sld [smem:$0x3FFE];
	[sflag:s23] =	ssyncadd.s32 $0xFFFFFFFF  }
0xa5: {  	s26 =	simm.s32 $execute0_lowered;
	[smem:$0x3FD2] =	sst s25  }
0xa6: {  	s5 =	sshll.u32 s26, $0x1;
	_ =	strace $0x80000046;
	[dreg:$0x1] =	wrdreg $0xFFFFFFFF  }
0xa7: {  	s28 =	simm.s32 $_size_execute0_lowered;
	s3 =	sadd.s32 s3, s5;
	[dreg:$0x0] =	wrdreg $0x0  }
0xa8: {  	s5 =	sshll.u32 s28, $0x1;
	[dreg:$0x2] =	wrdreg s3  }
0xa9: {  	[dreg:$0x3] =	wrdreg s5  }
0xaa: {  	[dreg:$0x4] =	wrdreg $0xC0  }
0xab: {  	_ =	task [dreg:s7], $0x5FFFF  }
0xac: {  	[dreg:$0x1] =	wrdreg $0xFFFFFFFF  }
0xad: {  	[dreg:$0x0] =	wrdreg $0x60  }
0xae: {  	[dreg:$0x2] =	wrdreg s24  }
0xaf: {  	[dreg:$0x3] =	wrdreg s2  }
0xb0: {  	[dreg:$0x4] =	wrdreg $0x9  }
0xb1: {  	_ =	task.clear_ibuf [dreg:s7], $0x5FFFF;
	_ =	strace $0x90000046  }
0xb2: {  	s29 =	simm.s32 $0x9;
	_ =	strace $0x80000048  }
0xb3: {  	_ =	swait.ge [sflag:s29], $0x1  }
0xb4: {  	[sflag:s29] =	ssyncadd.s32 $0xFFFFFFFF  }
0xb5: {  	_ =	strace $0x90000048  }
0xb6: {  	_ =	sfence  }
0xb7: {  	s30 =	sld [smem:$0x0];
	_ =	sdelay $0x2  }
0xb8: {  	s31 =	sshll.u32 s1, $0xD;
	s1 =	sshrl.u32 s1, $0x2  }
0xb9: {  	s3 =	sand.u32 $0x4000, s31;
	s1 =	sadd.s32 s1, s30  }
0xba: {  	s0 =	sor.u32 s3, s0;
	s1 =	sshll.u32 s1, $0x11  }
0xbb: {  	s0 =	sor.u32 s1, s0  }
0xbc: {  	s0 =	sadd.s32 $0x8F2B, s0  }
0xbd: {  	[sflag:s0] =	ssyncadd.remote.s32 $0x1  }
0xbe: {  	_ =	sfence.sel $0xFFFF  }
0xbf: {  	[dreg:$0x0] =	wrdreg $0xFFFFFFFF;
	(pc) =	sbr.abs _section_cstart, $3  }
0xc0: {  	[dreg:$0x1] =	wrdreg $0xFFFFFFFF  }
0xc1: {  	_ =	task.clear_ibuf [dreg:s7], $0x2FFFF;
	_ =	strace $0x9FFFFFFF  }
0xc2: {  	(tm) =	ssettm $0x7FFFFFFF  }
0xc3: {  	_ =	shalt  }
tec
execute0_lowered:
.L_overlay_start_1:
0x0: {  	(tag) =	ssettag $0x1  }
0x1: {  	s0 =	srdreg.scid;
	s1 =	rddreg [dreg:$0x0]  }
0x2: {  	s2 =	stileid.u32;
	s5 =	rddreg [dreg:$0x1]  }
0x3: {  	s8 =	simm.s32 $0x80;
	s10 =	simm.s32 $0x48;
	s12 =	simm.s32 $0xC8  }
0x4: {  	s13 =	simm.s32 $0x7D00;
	s14 =	simm.s32 $0x148;
	s15 =	simm.s32 $0x8D00  }
0x5: {  	s16 =	simm.s32 $0x190;
	s17 =	simm.s32 $0x9600;
	s18 =	simm.s32 $0x210  }
0x6: {  	s19 =	simm.s32 $0xA600;
	s20 =	simm.s32 $0xAF00;
	s21 =	simm.s32 $0xBF00  }
0x7: {  	s22 =	simm.s32 $0x1;
	s23 =	simm.s32 $0x2;
	s24 =	simm.s32 $0x3  }
0x8: {  	s25 =	simm.s32 $0x4;
	s26 =	simm.s32 $0xC800;
	s0 =	sand.u32 $0x1, s0  }
0x9: {  	s28 =	simm.s32 $0x0;
	s2 =	sshll.u32 s2, $0x8;
	s3 =	sshll.u32 s0, $0x7  }
0xa: {  	s0 =	ssub.s32 $0x2, s0;
	s4 =	sor.u32 s3, s2;
	s2 =	simm.s32 $0x0  }
0xb: {  	s7 =	sshrl.u32 s0, $0x1;
	s3 =	smul.u32 $0x19, s4;
	[smem:$0x7FF] =	sst s2  }
0xc: {  	s0 =	ssub.s32 s0, s7;
	s31 =	sshll.u32 s4, $0x3;
	s7 =	simm.s32 $0x5  }
0xd: {  	_ =	strace $0x80000047;
	s5 =	sadd.s32 s5, s31;
	s6 =	sadd.s32 s3, s1  }
0xe: {  	s3 =	sadd.s32 $0x19800, s1;
	s4 =	sadd.s32 $0x800, s6;
	s6 =	smax.u32 s0, $0x1  }
.LBB2_1:
0xf: {  	[tilespmem:s2], [sflag:$0x5] =	stream.linear.gather [hbm4b:s4+s2], $0x6400, $0x38;
	[tilespmem:$0xE800] =	vst v63  }
0x10: {  	_ =	swait.ge [sflag:s7], $0x6400  }
0x11: {  	[sflag:s7] =	ssyncset.done $0x0  }
0x12: {  	s0 =	simm.s32 $0x6400;
	[sflag:s7] =	ssyncadd.s32 $0xFFFF9C00  }
0x13: {  	[tilespmem:s0], [sflag:$0x1] =	stream.indirect.gather [hbm4b:s3+s8], $0x20, s2, s8, $0xb8;
	[tilespmem:$0xE800] =	vst v63  }
0x14: {  	s31 =	simm.s32 $0x7400  }
0x15: {  	[tilespmem:s31], [sflag:$0x1] =	stream.indirect.gather [hbm4b:s3+s10], $0x20, s8, s10, $0xb8;
	[tilespmem:$0xE800] =	vst v63  }
0x16: {  	_ = 	snop  }
0x17: {  	[tilespmem:s13], [sflag:$0x2] =	stream.indirect.gather [hbm4b:s3+s8], $0x20, s12, s8, $0xb8;
	[tilespmem:$0xE800] =	vst v63  }
0x18: {  	_ = 	snop  }
0x19: {  	[tilespmem:s15], [sflag:$0x2] =	stream.indirect.gather [hbm4b:s3+s10], $0x20, s14, s10, $0xb8;
	[tilespmem:$0xE800] =	vst v63  }
0x1a: {  	_ = 	snop  }
0x1b: {  	[tilespmem:s17], [sflag:$0x3] =	stream.indirect.gather [hbm4b:s3+s8], $0x20, s16, s8, $0xb8;
	[tilespmem:$0xE800] =	vst v63  }
0x1c: {  	s29 =	simm.s32 $0x0  }
0x1d: {  	[tilespmem:s19], [sflag:$0x3] =	stream.indirect.gather [hbm4b:s3+s10], $0x20, s18, s10, $0xb8;
	[tilespmem:$0xE800] =	vst v63  }
.LBB2_2:
0x1e: {  	s30 =	sshllo.u32 s29, $0x2  }
0x1f: {  	s0 =	smul.u32 $0x320, s30;
	_ =	sdelay $0x1  }
0x20: {  	s0 =	sshra.s32 s0, $0x2  }
0x21: {  	[tilespmem:s20], [sflag:$0x4] =	stream.indirect.gather [hbm4b:s3+s8], $0x20, s0, s8, $0xb8;
	[tilespmem:$0xE800] =	vst v63  }
0x22: {  	s0 =	sadd.s32 $0x80, s0  }
0x23: {  	[tilespmem:s21], [sflag:$0x4] =	stream.indirect.gather [hbm4b:s3+s10], $0x20, s0, s10, $0xb8;
	[tilespmem:$0xE800] =	vst v63  }
0x24: {  	_ =	swait.ge [sflag:s22], $0x1900  }
0x25: {  	[sflag:s22] =	ssyncset.done $0x0  }
0x26: {  	s11 =	simm.s32 $0x0;
	[sflag:s22] =	ssyncadd.s32 $0xFFFFE700  }
0x27: {  	v1 =	vld [tilespmem:s11+$0x6430]  }
0x28: {  	v2 =	vld [tilespmem:s11+$0x6400]  }
0x29: {  	v4 =	vld [tilespmem:s11+$0x6410]  }
0x2a: {  	v9 =	vld [tilespmem:s11+$0x6420];
	_ =	sdelay $0x2  }
0x2b: {  	v0 =	vimm.f32 $0.0e+00;
	s31 =	simm.s32 $0x40;
	v13 =	vshll.u32 v1, $0x10  }
0x2c: {  	v8 =	vld [tilespmem:s31+$0x6430];
	v1 =	vand.u32 $0xFFFF0000, v1;
	v5 =	vshll.u32 v2, $0x10;
	v10 =	vand.u32 $0xFFFF0000, v2  }
0x2d: {  	v6 =	vld [tilespmem:s31+$0x6400];
	v11 =	vand.u32 $0xFFFF0000, v4;
	v14 =	vshll.u32 v9, $0x10;
	v3 =	vadd.f32 v1, v0  }
0x2e: {  	v2 =	vld [tilespmem:s31+$0x6410];
	v1 =	vshll.u32 v4, $0x10;
	v7 =	vadd.f32 v5, v0;
	v5 =	vadd.f32 v10, v0  }
0x2f: {  	v12 =	vand.u32 $0xFFFF0000, v9;
	v10 =	vld [tilespmem:s31+$0x6420];
	v9 =	vadd.f32 v13, v0;
	v4 =	vadd.f32 v1, v0  }
0x30: {  	s1 =	simm.s32 $0x200;
	v1 =	vadd.f32 v11, v0;
	v11 =	vadd.f32 v14, v0  }
.LBB2_3:
0x31: {  	s0 =	sshra.s32 s1, $0x2;
	p0 =	sne.s32 s1, $0x6300;
	s1 =	sadd.s32 $0x100, s1;
	v13 =	vshll.u32 v8, $0x10;
	v14 =	vand.u32 $0xFFFF0000, v8;
	v0 =	vadd.f32 v12, v0  }
.Ltmp0:
0x32: {  	v8 =	vld [tilespmem:s0+$0x6430];
	v12 =	vshll.u32 v6, $0x10;
	v15 =	vand.u32 $0xFFFF0000, v6;
	v3 =	vadd.f32 v14, v3;
	(pc) =	sbr.rel @p0 .LBB2_3-.Ltmp0, $4  }
0x33: {  	v6 =	vld [tilespmem:s0+$0x6400];
	v7 =	vadd.f32 v12, v7;
	v12 =	vshll.u32 v2, $0x10;
	v14 =	vand.u32 $0xFFFF0000, v2  }
0x34: {  	v2 =	vld [tilespmem:s0+$0x6410];
	v4 =	vadd.f32 v12, v4;
	v16 =	vshll.u32 v10, $0x10;
	v12 =	vand.u32 $0xFFFF0000, v10  }
0x35: {  	v5 =	vadd.f32 v15, v5;
	v1 =	vadd.f32 v14, v1;
	v10 =	vld [tilespmem:s0+$0x6420]  }
0x36: {  	v9 =	vadd.f32 v13, v9;
	v11 =	vadd.f32 v16, v11  }
0x37: {  	v13 =	vshll.u32 v8, $0x10;
	v8 =	vand.u32 $0xFFFF0000, v8  }
0x38: {  	v0 =	vadd.f32 v12, v0;
	v12 =	vshll.u32 v6, $0x10;
	v6 =	vand.u32 $0xFFFF0000, v6  }
0x39: {  	v3 =	vadd.f32 v8, v3;
	v8 =	vshll.u32 v2, $0x10;
	v5 =	vadd.f32 v6, v5  }
0x3a: {  	v6 =	vadd.f32 v13, v9;
	v2 =	vand.u32 $0xFFFF0000, v2;
	v4 =	vadd.f32 v8, v4  }
0x3b: {  	v7 =	vadd.f32 v12, v7;
	v12 =	vshll.u32 v10, $0x10;
	v1 =	vadd.f32 v2, v1  }
0x3c: {  	s0 =	sshll.u32 s29, $0x8;
	v10 =	vand.u32 $0xFFFF0000, v10;
	v8 =	vadd.f32 v12, v11;
	v2 =	vadd.f32 v6, v4  }
0x3d: {  	p0 =	seq.s32 s29, $0x1F;
	s31 =	sand.u32 $0x3FFFFF00, s0;
	v0 =	vadd.f32 v10, v0;
	v1 =	vadd.f32 v3, v1  }
0x3e: {  	s0 =	smul.u32 @!p0 $0xC80, s29;
	v7 =	vadd.f32 v8, v7;
	[tilespmem:s31+$0xC810] =	vst v2  }
0x3f: {  	v0 =	vadd.f32 v0, v5;
	[tilespmem:s31+$0xC830] =	vst v1  }
0x40: {  	s1 =	sshra.s32 @!p0 s0, $0x2;
	[tilespmem:s31+$0xC800] =	vst v7  }
0x41: {  	s9 =	simm.s32 @!p0 $0x80;
	s11 =	simm.s32 @!p0 $0x6400;
	s0 =	sadd.s32 @!p0 $0x320, s1;
	[tilespmem:s31+$0xC820] =	vst v0  }
0x42: {  	[tilespmem:s11], [sflag:$0x1] =	stream.indirect.gather @!p0 [hbm4b:s3+s9], $0x20, s0, s9, $0xb8;
	[tilespmem:$0xE800] =	vst v63  }
0x43: {  	s0 =	sadd.s32 @!p0 $0x3A0, s1;
	s9 =	simm.s32 @!p0 $0x48;
	s11 =	simm.s32 @!p0 $0x7400  }
0x44: {  	[tilespmem:s11], [sflag:$0x1] =	stream.indirect.gather @!p0 [hbm4b:s3+s9], $0x20, s0, s9, $0xb8;
	[tilespmem:$0xE800] =	vst v63  }
0x45: {  	_ =	swait.ge [sflag:s23], $0x1900  }
0x46: {  	[sflag:s23] =	ssyncset.done $0x0  }
0x47: {  	s9 =	simm.s32 $0x0;
	[sflag:s23] =	ssyncadd.s32 $0xFFFFE700  }
0x48: {  	v1 =	vld [tilespmem:s9+$0x7D30]  }
0x49: {  	v2 =	vld [tilespmem:s9+$0x7D00]  }
0x4a: {  	v4 =	vld [tilespmem:s9+$0x7D10]  }
0x4b: {  	v9 =	vld [tilespmem:s9+$0x7D20];
	_ =	sdelay $0x2  }
0x4c: {  	v0 =	vimm.f32 $0.0e+00;
	s11 =	simm.s32 $0x40;
	v13 =	vshll.u32 v1, $0x10  }
0x4d: {  	v8 =	vld [tilespmem:s11+$0x7D30];
	v1 =	vand.u32 $0xFFFF0000, v1;
	v5 =	vshll.u32 v2, $0x10;
	v10 =	vand.u32 $0xFFFF0000, v2  }
0x4e: {  	v6 =	vld [tilespmem:s11+$0x7D00];
	v11 =	vand.u32 $0xFFFF0000, v4;
	v14 =	vshll.u32 v9, $0x10;
	v3 =	vadd.f32 v1, v0  }
0x4f: {  	v2 =	vld [tilespmem:s11+$0x7D10];
	v1 =	vshll.u32 v4, $0x10;
	v7 =	vadd.f32 v5, v0;
	v5 =	vadd.f32 v10, v0  }
0x50: {  	v12 =	vand.u32 $0xFFFF0000, v9;
	v10 =	vld [tilespmem:s11+$0x7D20];
	v9 =	vadd.f32 v13, v0;
	v4 =	vadd.f32 v1, v0  }
0x51: {  	s0 =	simm.s32 $0x200;
	v1 =	vadd.f32 v11, v0;
	v11 =	vadd.f32 v14, v0  }
.LBB2_5:
0x52: {  	s9 =	sshra.s32 s0, $0x2;
	p1 =	sne.s32 s0, $0x6300;
	s0 =	sadd.s32 $0x100, s0;
	v13 =	vshll.u32 v8, $0x10;
	v14 =	vand.u32 $0xFFFF0000, v8;
	v0 =	vadd.f32 v12, v0  }
.Ltmp1:
0x53: {  	v8 =	vld [tilespmem:s9+$0x7D30];
	v12 =	vshll.u32 v6, $0x10;
	v15 =	vand.u32 $0xFFFF0000, v6;
	v3 =	vadd.f32 v14, v3;
	(pc) =	sbr.rel @p1 .LBB2_5-.Ltmp1, $4  }
0x54: {  	v6 =	vld [tilespmem:s9+$0x7D00];
	v7 =	vadd.f32 v12, v7;
	v12 =	vshll.u32 v2, $0x10;
	v14 =	vand.u32 $0xFFFF0000, v2  }
0x55: {  	v2 =	vld [tilespmem:s9+$0x7D10];
	v4 =	vadd.f32 v12, v4;
	v16 =	vshll.u32 v10, $0x10;
	v12 =	vand.u32 $0xFFFF0000, v10  }
0x56: {  	v5 =	vadd.f32 v15, v5;
	v1 =	vadd.f32 v14, v1;
	v10 =	vld [tilespmem:s9+$0x7D20]  }
0x57: {  	v9 =	vadd.f32 v13, v9;
	v11 =	vadd.f32 v16, v11  }
0x58: {  	v13 =	vshll.u32 v8, $0x10;
	v8 =	vand.u32 $0xFFFF0000, v8  }
0x59: {  	v0 =	vadd.f32 v12, v0;
	v12 =	vshll.u32 v6, $0x10;
	v6 =	vand.u32 $0xFFFF0000, v6  }
0x5a: {  	v3 =	vadd.f32 v8, v3;
	v8 =	vshll.u32 v2, $0x10;
	v5 =	vadd.f32 v6, v5  }
0x5b: {  	v6 =	vadd.f32 v13, v9;
	v2 =	vand.u32 $0xFFFF0000, v2;
	v4 =	vadd.f32 v8, v4  }
0x5c: {  	v7 =	vadd.f32 v12, v7;
	v12 =	vshll.u32 v10, $0x10;
	v1 =	vadd.f32 v2, v1  }
0x5d: {  	v10 =	vand.u32 $0xFFFF0000, v10;
	v8 =	vadd.f32 v12, v11;
	v2 =	vadd.f32 v6, v4  }
0x5e: {  	v0 =	vadd.f32 v10, v0;
	v1 =	vadd.f32 v3, v1  }
0x5f: {  	v7 =	vadd.f32 v8, v7;
	[tilespmem:s31+$0xC850] =	vst v2  }
0x60: {  	v0 =	vadd.f32 v0, v5;
	[tilespmem:s31+$0xC870] =	vst v1  }
0x61: {  	[tilespmem:s31+$0xC840] =	vst v7  }
0x62: {  	s0 =	sadd.s32 @!p0 $0x3E8, s1;
	s9 =	simm.s32 @!p0 $0x80;
	s11 =	simm.s32 @!p0 $0x7D00;
	[tilespmem:s31+$0xC860] =	vst v0  }
0x63: {  	[tilespmem:s11], [sflag:$0x2] =	stream.indirect.gather @!p0 [hbm4b:s3+s9], $0x20, s0, s9, $0xb8;
	[tilespmem:$0xE800] =	vst v63  }
0x64: {  	s0 =	sadd.s32 @!p0 $0x468, s1;
	s9 =	simm.s32 @!p0 $0x48;
	s11 =	simm.s32 @!p0 $0x8D00  }
0x65: {  	[tilespmem:s11], [sflag:$0x2] =	stream.indirect.gather @!p0 [hbm4b:s3+s9], $0x20, s0, s9, $0xb8;
	[tilespmem:$0xE800] =	vst v63  }
0x66: {  	_ =	swait.ge [sflag:s24], $0x1900  }
0x67: {  	[sflag:s24] =	ssyncset.done $0x0  }
0x68: {  	s9 =	simm.s32 $0x0;
	[sflag:s24] =	ssyncadd.s32 $0xFFFFE700  }
0x69: {  	v1 =	vld [tilespmem:s9+$0x9630]  }
0x6a: {  	v2 =	vld [tilespmem:s9+$0x9600]  }
0x6b: {  	v4 =	vld [tilespmem:s9+$0x9610]  }
0x6c: {  	v9 =	vld [tilespmem:s9+$0x9620];
	_ =	sdelay $0x2  }
0x6d: {  	v0 =	vimm.f32 $0.0e+00;
	s11 =	simm.s32 $0x40;
	v13 =	vshll.u32 v1, $0x10  }
0x6e: {  	v8 =	vld [tilespmem:s11+$0x9630];
	v1 =	vand.u32 $0xFFFF0000, v1;
	v5 =	vshll.u32 v2, $0x10;
	v10 =	vand.u32 $0xFFFF0000, v2  }
0x6f: {  	v6 =	vld [tilespmem:s11+$0x9600];
	v11 =	vand.u32 $0xFFFF0000, v4;
	v14 =	vshll.u32 v9, $0x10;
	v3 =	vadd.f32 v1, v0  }
0x70: {  	v2 =	vld [tilespmem:s11+$0x9610];
	v1 =	vshll.u32 v4, $0x10;
	v7 =	vadd.f32 v5, v0;
	v5 =	vadd.f32 v10, v0  }
0x71: {  	v12 =	vand.u32 $0xFFFF0000, v9;
	v10 =	vld [tilespmem:s11+$0x9620];
	v9 =	vadd.f32 v13, v0;
	v4 =	vadd.f32 v1, v0  }
0x72: {  	s0 =	simm.s32 $0x200;
	v1 =	vadd.f32 v11, v0;
	v11 =	vadd.f32 v14, v0  }
.LBB2_7:
0x73: {  	s9 =	sshra.s32 s0, $0x2;
	p1 =	sne.s32 s0, $0x6300;
	s0 =	sadd.s32 $0x100, s0;
	v13 =	vshll.u32 v8, $0x10;
	v14 =	vand.u32 $0xFFFF0000, v8;
	v0 =	vadd.f32 v12, v0  }
.Ltmp2:
0x74: {  	v8 =	vld [tilespmem:s9+$0x9630];
	v12 =	vshll.u32 v6, $0x10;
	v15 =	vand.u32 $0xFFFF0000, v6;
	v3 =	vadd.f32 v14, v3;
	(pc) =	sbr.rel @p1 .LBB2_7-.Ltmp2, $4  }
0x75: {  	v6 =	vld [tilespmem:s9+$0x9600];
	v7 =	vadd.f32 v12, v7;
	v12 =	vshll.u32 v2, $0x10;
	v14 =	vand.u32 $0xFFFF0000, v2  }
0x76: {  	v2 =	vld [tilespmem:s9+$0x9610];
	v4 =	vadd.f32 v12, v4;
	v16 =	vshll.u32 v10, $0x10;
	v12 =	vand.u32 $0xFFFF0000, v10  }
0x77: {  	v5 =	vadd.f32 v15, v5;
	v1 =	vadd.f32 v14, v1;
	v10 =	vld [tilespmem:s9+$0x9620]  }
0x78: {  	v9 =	vadd.f32 v13, v9;
	v11 =	vadd.f32 v16, v11  }
0x79: {  	v13 =	vshll.u32 v8, $0x10;
	v8 =	vand.u32 $0xFFFF0000, v8  }
0x7a: {  	v0 =	vadd.f32 v12, v0;
	v12 =	vshll.u32 v6, $0x10;
	v6 =	vand.u32 $0xFFFF0000, v6  }
0x7b: {  	v3 =	vadd.f32 v8, v3;
	v8 =	vshll.u32 v2, $0x10;
	v5 =	vadd.f32 v6, v5  }
0x7c: {  	v6 =	vadd.f32 v13, v9;
	v2 =	vand.u32 $0xFFFF0000, v2;
	v4 =	vadd.f32 v8, v4  }
0x7d: {  	v7 =	vadd.f32 v12, v7;
	v12 =	vshll.u32 v10, $0x10;
	v1 =	vadd.f32 v2, v1  }
0x7e: {  	v10 =	vand.u32 $0xFFFF0000, v10;
	v8 =	vadd.f32 v12, v11;
	v2 =	vadd.f32 v6, v4  }
0x7f: {  	v0 =	vadd.f32 v10, v0;
	v1 =	vadd.f32 v3, v1  }
0x80: {  	v7 =	vadd.f32 v8, v7;
	[tilespmem:s31+$0xC890] =	vst v2  }
0x81: {  	v0 =	vadd.f32 v0, v5;
	[tilespmem:s31+$0xC8B0] =	vst v1  }
0x82: {  	[tilespmem:s31+$0xC880] =	vst v7  }
0x83: {  	s0 =	sadd.s32 @!p0 $0x4B0, s1;
	s9 =	simm.s32 @!p0 $0x80;
	s11 =	simm.s32 @!p0 $0x9600;
	[tilespmem:s31+$0xC8A0] =	vst v0  }
0x84: {  	[tilespmem:s11], [sflag:$0x3] =	stream.indirect.gather @!p0 [hbm4b:s3+s9], $0x20, s0, s9, $0xb8;
	[tilespmem:$0xE800] =	vst v63  }
0x85: {  	s0 =	sadd.s32 @!p0 $0x530, s1;
	s1 =	simm.s32 @!p0 $0x48;
	s9 =	simm.s32 @!p0 $0xA600  }
0x86: {  	[tilespmem:s9], [sflag:$0x3] =	stream.indirect.gather @!p0 [hbm4b:s3+s1], $0x20, s0, s1, $0xb8;
	[tilespmem:$0xE800] =	vst v63  }
0x87: {  	_ =	swait.ge [sflag:s25], $0x1900  }
0x88: {  	[sflag:s25] =	ssyncset.done $0x0  }
0x89: {  	s11 =	simm.s32 $0x0;
	[sflag:s25] =	ssyncadd.s32 $0xFFFFE700  }
0x8a: {  	v1 =	vld [tilespmem:s11+$0xAF30]  }
0x8b: {  	v2 =	vld [tilespmem:s11+$0xAF00]  }
0x8c: {  	v4 =	vld [tilespmem:s11+$0xAF10]  }
0x8d: {  	v9 =	vld [tilespmem:s11+$0xAF20];
	_ =	sdelay $0x2  }
0x8e: {  	v0 =	vimm.f32 $0.0e+00;
	s31 =	simm.s32 $0x40;
	v13 =	vshll.u32 v1, $0x10  }
0x8f: {  	v8 =	vld [tilespmem:s31+$0xAF30];
	v1 =	vand.u32 $0xFFFF0000, v1;
	v5 =	vshll.u32 v2, $0x10;
	v10 =	vand.u32 $0xFFFF0000, v2  }
0x90: {  	v6 =	vld [tilespmem:s31+$0xAF00];
	v11 =	vand.u32 $0xFFFF0000, v4;
	v14 =	vshll.u32 v9, $0x10;
	v3 =	vadd.f32 v1, v0  }
0x91: {  	v2 =	vld [tilespmem:s31+$0xAF10];
	v1 =	vshll.u32 v4, $0x10;
	v7 =	vadd.f32 v5, v0;
	v5 =	vadd.f32 v10, v0  }
0x92: {  	v12 =	vand.u32 $0xFFFF0000, v9;
	v10 =	vld [tilespmem:s31+$0xAF20];
	v9 =	vadd.f32 v13, v0;
	v4 =	vadd.f32 v1, v0  }
0x93: {  	s0 =	simm.s32 $0x200;
	v1 =	vadd.f32 v11, v0;
	v11 =	vadd.f32 v14, v0  }
.LBB2_9:
0x94: {  	s1 =	sshra.s32 s0, $0x2;
	p0 =	sne.s32 s0, $0x6300;
	s0 =	sadd.s32 $0x100, s0;
	v13 =	vshll.u32 v8, $0x10;
	v14 =	vand.u32 $0xFFFF0000, v8;
	v0 =	vadd.f32 v12, v0  }
.Ltmp3:
0x95: {  	v8 =	vld [tilespmem:s1+$0xAF30];
	v12 =	vshll.u32 v6, $0x10;
	v15 =	vand.u32 $0xFFFF0000, v6;
	v3 =	vadd.f32 v14, v3;
	(pc) =	sbr.rel @p0 .LBB2_9-.Ltmp3, $4  }
0x96: {  	v6 =	vld [tilespmem:s1+$0xAF00];
	v7 =	vadd.f32 v12, v7;
	v12 =	vshll.u32 v2, $0x10;
	v14 =	vand.u32 $0xFFFF0000, v2  }
0x97: {  	v2 =	vld [tilespmem:s1+$0xAF10];
	v4 =	vadd.f32 v12, v4;
	v16 =	vshll.u32 v10, $0x10;
	v12 =	vand.u32 $0xFFFF0000, v10  }
0x98: {  	v5 =	vadd.f32 v15, v5;
	v1 =	vadd.f32 v14, v1;
	v10 =	vld [tilespmem:s1+$0xAF20]  }
0x99: {  	v9 =	vadd.f32 v13, v9;
	v11 =	vadd.f32 v16, v11  }
0x9a: {  	v13 =	vshll.u32 v8, $0x10;
	v54 =	vand.u32 $0xFFFF0000, v8  }
0x9b: {  	v0 =	vadd.f32 v12, v0;
	v55 =	vshll.u32 v6, $0x10;
	v3 =	vadd.f32 v54, v3  }
0x9c: {  	v58 =	vand.u32 $0xFFFF0000, v6;
	v61 =	vadd.f32 v13, v9;
	v56 =	vshll.u32 v2, $0x10  }
0x9d: {  	v7 =	vadd.f32 v55, v7;
	v62 =	vand.u32 $0xFFFF0000, v2;
	v4 =	vadd.f32 v56, v4  }
0x9e: {  	s29 =	sadd.s32 $0x1, s29;
	v5 =	vadd.f32 v58, v5;
	v57 =	vshll.u32 v10, $0x10;
	v1 =	vadd.f32 v62, v1  }
0x9f: {  	s0 =	sshll.u32 s30, $0x6;
	p0 =	sne.s32 s29, $0x20;
	v60 =	vand.u32 $0xFFFF0000, v10;
	v59 =	vadd.f32 v57, v11;
	v63 =	vadd.f32 v61, v4  }
.Ltmp4:
0xa0: {  	s0 =	sand.u32 $0x3FFFFFC0, s0;
	v0 =	vadd.f32 v60, v0;
	v1 =	vadd.f32 v3, v1;
	(pc) =	sbr.rel @p0 .LBB2_2-.Ltmp4, $4  }
0xa1: {  	v7 =	vadd.f32 v59, v7;
	[tilespmem:s0+$0xC810] =	vst v63  }
0xa2: {  	v0 =	vadd.f32 v0, v5;
	[tilespmem:s0+$0xC830] =	vst v1  }
0xa3: {  	[tilespmem:s0+$0xC800] =	vst v7  }
0xa4: {  	[tilespmem:s0+$0xC820] =	vst v0  }
0xa5: {  	s28 =	sadd.s32 $0x1, s28  }
0xa6: {  	p0 =	sne.s32 s28, s6  }
.Ltmp5:
0xa7: {  	_ = 	snop;
	(pc) =	sbr.rel @p0 .LBB2_1-.Ltmp5, $4  }
0xa8: {  	[hbm4b:s5+s2] =	stream.linear.scatter [tilespmem:s26], [sflag:$0x5], $0x2000, $0x38;
	[tilespmem:$0xE800] =	vst v63  }
0xa9: {  	_ =	swait.ge [sflag:s7], $0x2000  }
0xaa: {  	[sflag:s7] =	ssyncset.done $0x0  }
0xab: {  	[sflag:s7] =	ssyncadd.s32 $0xFFFFE000  }
0xac: {  	_ =	sfence.sel $0x180000  }
0xad: {  	[bflag:$0x0] =	sbarrier.arrive $0xFFFF  }
0xae: {  	_ =	strace $0x90000047  }
0xaf: {  	s0 =	stileid.u32;
	[bflag:$0x2] =	sbarrier.arrive $0xFFFF  }
0xb0: {  	p0 =	sne.s32 s0, $0x0;
	s0 =	rddreg [dreg:$0x2]  }
0xb1: {  	s0 =	sadd.s32 @!p0 $0x100000, s0  }
0xb2: {  	[sflag:s0] =	ssyncadd.tile.s32 @!p0 $0x1;
	_ =	shalt  }
.Lfunc_end2:
_tile_overlayer_lowered:
.L_overlay_start_2:
0xb3: {  	(tag) =	ssettag $0x2  }
0xb4: {  	s0 =	rddreg [dreg:$0x0];
	s2 =	stileid.u32  }
0xb5: {  	s1 =	rddreg [dreg:$0x1];
	p0 =	sne.s32 s2, $0x0  }
0xb6: {  	s3 =	rddreg [dreg:$0x2];
	[bflag:$0x3] =	sbarrier.arrive $0xFFFF;
	s2 =	simm.s32 @!p0 $0x1C05  }
0xb7: {  	[timem:s3], [sflag:s2] =	dma.local @!p0 [hbm:s0], s1  }
0xb8: {  	s0 =	simm.s32 @!p0 $0x5  }
0xb9: {  	_ =	swait.ge @!p0 [sflag:s0], s1  }
0xba: {  	s1 =	ssub.s32 @!p0 $0x0, s1;
	[sflag:s0] =	ssyncset.done @!p0 $0x0  }
0xbb: {  	[sflag:s0] =	ssyncadd.s32 @!p0 s1  }
0xbc: {  	[bflag:$0x3] =	sbarrier.arrive $0xFFFF  }
0xbd: {  	_ =	shalt  }

</sc_bundles>
